<compile_context>
chip_gen: v7x
topology: tpu7x:2x2x1
jax: 0.10.2.dev20260603
libtpu: 0.0.44.dev20260713+nightly
codegen_flags: <defaults>
</compile_context>

<pallas_src>
import functools

import jax
import jax.numpy as jnp
from jax import lax
from jax.experimental import pallas as pl
from jax.experimental.pallas import tpu as pltpu
from jax.experimental.pallas import tpu_sc as plsc

N = 10000
E = 320000
D = 128
SLOPE = (1.0 / 8.0 + 1.0 / 3.0) / 2.0

NC = 2
NS = 16
NW = NC * NS
EPW = E // NW
CHUNK = 80
NCHUNK = EPW // CHUNK
NPAIR = (NCHUNK - 1) // 2
NPAD = 10240
RPT = NPAD // NS
DEG_PAD = 10240
DEG_RPT = DEG_PAD // NS

_MESH = plsc.VectorSubcoreMesh(core_axis_name="c", subcore_axis_name="s")


def _sc_ef_deg_body(ef_hbm, dst_hbm, z2_hbm, z1_hbm, efagg_out, deg_out,
                    dstv, rows, ones1, acc_ef, acc_deg, *sems):
    c = lax.axis_index("c")
    s = lax.axis_index("s")
    wid = c * NS + s

    one = jnp.ones((16,), jnp.float32)
    for i in range(CHUNK // 16):
        ones1[pl.ds(i * 16, 16)] = one

    pltpu.sync_copy(z2_hbm.at[pl.ds(s * RPT, RPT)],
                    acc_ef.at[pl.ds(s * RPT, RPT)])
    pltpu.sync_copy(z1_hbm.at[pl.ds(s * DEG_RPT, DEG_RPT)],
                    acc_deg.at[pl.ds(s * DEG_RPT, DEG_RPT)])
    plsc.subcore_barrier()

    pltpu.sync_copy(dst_hbm.at[wid], dstv)

    buf0 = rows.at[0]
    buf1 = rows.at[1]
    gsem0, gsem1, ssem0, ssem1, osem = sems

    def fire_g(j, buf, gs):
        pltpu.async_copy(ef_hbm.at[pl.ds(wid * EPW + j * CHUNK, CHUNK)],
                         buf, gs)

    def drain_g(buf, gs):
        pltpu.make_async_copy(ef_hbm.at[pl.ds(0, CHUNK)], buf, gs).wait()

    def fire_s(j, buf, ss):
        pltpu.async_copy(buf, acc_ef.at[dstv.at[j]], ss, add=True)
        pltpu.async_copy(ones1, acc_deg.at[dstv.at[j]], osem, add=True)

    def drain_s(buf, ss):
        pltpu.make_async_copy(buf, acc_ef.at[dstv.at[0]], ss).wait()

    def drain_o():
        pltpu.make_async_copy(ones1, acc_deg.at[dstv.at[0]], osem).wait()

    fire_g(0, buf0, gsem0)
    fire_g(1, buf1, gsem1)

    def pair(t, carry):
        j0 = 2 * t
        drain_g(buf0, gsem0)
        fire_s(j0, buf0, ssem0)
        drain_g(buf1, gsem1)
        fire_s(j0 + 1, buf1, ssem1)
        drain_s(buf0, ssem0)
        fire_g(j0 + 2, buf0, gsem0)
        drain_s(buf1, ssem1)
        drain_o()
        drain_o()

        @pl.when(j0 + 3 < NCHUNK)
        def _():
            fire_g(j0 + 3, buf1, gsem1)

        return carry

    lax.fori_loop(0, NPAIR, pair, 0)
    drain_g(buf0, gsem0)
    fire_s(NCHUNK - 1, buf0, ssem0)
    drain_s(buf0, ssem0)
    drain_o()
    plsc.subcore_barrier()

    pltpu.sync_copy(acc_ef.at[pl.ds(s * RPT, RPT)],
                    efagg_out.at[c, pl.ds(s * RPT, RPT)])
    pltpu.sync_copy(acc_deg.at[pl.ds(s * DEG_RPT, DEG_RPT)],
                    deg_out.at[c, pl.ds(s * DEG_RPT, DEG_RPT)])


_sc_ef_deg = pl.kernel(
    _sc_ef_deg_body,
    out_type=[jax.ShapeDtypeStruct((NC, NPAD, D), jnp.float32),
              jax.ShapeDtypeStruct((NC, DEG_PAD), jnp.float32)],
    mesh=_MESH,
    scratch_types=[
        pltpu.VMEM((NCHUNK, CHUNK), jnp.int32),
        pltpu.VMEM((2, CHUNK, D), jnp.float32),
        pltpu.VMEM((CHUNK,), jnp.float32),
        pltpu.VMEM_SHARED((NPAD, D), jnp.float32),
        pltpu.VMEM_SHARED((DEG_PAD,), jnp.float32),
        pltpu.SemaphoreType.DMA,
        pltpu.SemaphoreType.DMA,
        pltpu.SemaphoreType.DMA,
        pltpu.SemaphoreType.DMA,
        pltpu.SemaphoreType.DMA,
    ],
)


def _sc_spmm_body(x_hbm, src_hbm, dst_hbm, z2_hbm, xagg_out,
                  srcv, dstv, rows, acc, *sems):
    c = lax.axis_index("c")
    s = lax.axis_index("s")
    wid = c * NS + s

    pltpu.sync_copy(z2_hbm.at[pl.ds(s * RPT, RPT)],
                    acc.at[pl.ds(s * RPT, RPT)])
    plsc.subcore_barrier()

    pltpu.sync_copy(src_hbm.at[pl.ds(wid * EPW, EPW)], srcv)
    pltpu.sync_copy(dst_hbm.at[wid], dstv)

    buf0 = rows.at[0]
    buf1 = rows.at[1]
    gsem0, gsem1, ssem0, ssem1 = sems

    def fire_g(j, buf, gs):
        pltpu.async_copy(x_hbm.at[srcv.at[pl.ds(j * CHUNK, CHUNK)]], buf, gs)

    def drain_g(buf, gs):
        pltpu.make_async_copy(x_hbm.at[pl.ds(0, CHUNK)], buf, gs).wait()

    def fire_s(j, buf, ss):
        pltpu.async_copy(buf, acc.at[dstv.at[j]], ss, add=True)

    def drain_s(buf, ss):
        pltpu.make_async_copy(buf, acc.at[dstv.at[0]], ss).wait()

    fire_g(0, buf0, gsem0)
    fire_g(1, buf1, gsem1)

    def pair(t, carry):
        j0 = 2 * t
        drain_g(buf0, gsem0)
        fire_s(j0, buf0, ssem0)
        drain_g(buf1, gsem1)
        fire_s(j0 + 1, buf1, ssem1)
        drain_s(buf0, ssem0)
        fire_g(j0 + 2, buf0, gsem0)
        drain_s(buf1, ssem1)

        @pl.when(j0 + 3 < NCHUNK)
        def _():
            fire_g(j0 + 3, buf1, gsem1)

        return carry

    lax.fori_loop(0, NPAIR, pair, 0)
    drain_g(buf0, gsem0)
    fire_s(NCHUNK - 1, buf0, ssem0)
    drain_s(buf0, ssem0)
    plsc.subcore_barrier()

    pltpu.sync_copy(acc.at[pl.ds(s * RPT, RPT)],
                    xagg_out.at[c, pl.ds(s * RPT, RPT)])


_sc_spmm = pl.kernel(
    _sc_spmm_body,
    out_type=jax.ShapeDtypeStruct((NC, NPAD, D), jnp.float32),
    mesh=_MESH,
    scratch_types=[
        pltpu.VMEM((EPW,), jnp.int32),
        pltpu.VMEM((NCHUNK, CHUNK), jnp.int32),
        pltpu.VMEM((2, CHUNK, D), jnp.float32),
        pltpu.VMEM_SHARED((NPAD, D), jnp.float32),
        pltpu.SemaphoreType.DMA,
        pltpu.SemaphoreType.DMA,
        pltpu.SemaphoreType.DMA,
        pltpu.SemaphoreType.DMA,
    ],
)


BLK = 1000


def _dense_body(x_ref, xagg_ref, efagg_ref, deg_ref, w1_ref, w2_ref, w3_ref,
                out_ref):
    x = x_ref[...]
    agg = xagg_ref[0] + xagg_ref[1] + efagg_ref[0] + efagg_ref[1]
    deg = deg_ref[...]
    degs = deg[:, 0:1] + deg[:, 1:2]
    dn = (((1,), (1,)), ((), ()))
    neigh = lax.dot_general(agg, w1_ref[...], dn,
                            preferred_element_type=jnp.float32)
    neigh = neigh / jnp.maximum(degs, 1.0)
    s2 = lax.dot_general(x, w2_ref[...], dn,
                         preferred_element_type=jnp.float32)
    s3 = lax.dot_general(x, w3_ref[...], dn,
                         preferred_element_type=jnp.float32)
    h = neigh + jnp.where(degs == 0.0, s3, s2)
    out_ref[...] = jnp.where(h >= 0.0, h, SLOPE * h)


def _dense(x, xagg, efagg, deg2, w1, w2, w3):
    return pl.pallas_call(
        _dense_body,
        grid=(N // BLK,),
        in_specs=[
            pl.BlockSpec((BLK, D), lambda i: (i, 0)),
            pl.BlockSpec((NC, BLK, D), lambda i: (0, i, 0)),
            pl.BlockSpec((NC, BLK, D), lambda i: (0, i, 0)),
            pl.BlockSpec((BLK, NC), lambda i: (i, 0)),
            pl.BlockSpec((D, D), lambda i: (0, 0)),
            pl.BlockSpec((D, D), lambda i: (0, 0)),
            pl.BlockSpec((D, D), lambda i: (0, 0)),
        ],
        out_specs=pl.BlockSpec((BLK, D), lambda i: (i, 0)),
        out_shape=jax.ShapeDtypeStruct((N, D), jnp.float32),
    )(x, xagg, efagg, deg2, w1, w2, w3)


def kernel(node_feats, edge_feats, edge_index, W1_0, W2_0, W3_0,
           W1_1, W2_1, W3_1):
    src_flat = edge_index[0]
    dst3 = edge_index[1].reshape(NW, NCHUNK, CHUNK)

    z2 = jnp.zeros((NPAD, D), jnp.float32)
    z1 = jnp.zeros((DEG_PAD,), jnp.float32)

    efagg_p, deg_p = _sc_ef_deg(edge_feats, dst3, z2, z1)
    deg2 = deg_p[:, :N].T

    xagg0 = _sc_spmm(node_feats, src_flat, dst3, z2)
    h0 = _dense(node_feats, xagg0, efagg_p, deg2, W1_0, W2_0, W3_0)
    xagg1 = _sc_spmm(h0, src_flat, dst3, z2)
    h1 = _dense(h0, xagg1, efagg_p, deg2, W1_1, W2_1, W3_1)
    return h1

# --- scband reference (transcript-rebuilt; emitter-appended) ---
"""Pipeline reference for scband-omega-rel-graph-conv-42064909697830 (READ-ONLY COPY).

The authoritative reference and input builder live on the scoring server;
editing this copy changes nothing except your own understanding.
"""

import jax, jax.numpy as jnp
import numpy as np

N = 10000
E = 320000
D = 128
H = 128
RRELU_SLOPE = (1.0 / 8.0 + 1.0 / 3.0) / 2.0  # torch.rrelu eval-mode slope (lower+upper)/2


def setup_inputs(seed: int = 0) -> dict:
    key = jax.random.key(seed)
    ks = jax.random.split(key, 9)
    node_feats = jax.random.normal(ks[0], (N, D), dtype=jnp.float32)
    edge_feats = jax.random.normal(ks[1], (E, D), dtype=jnp.float32)
    edge_index = jax.random.randint(ks[2], (2, E), 0, N, dtype=jnp.int32)
    s_in = 1.0 / np.sqrt(D)
    s_h = 1.0 / np.sqrt(H)
    # layer 0: input_size -> hidden_size
    W1_0 = jax.random.uniform(ks[3], (H, D), dtype=jnp.float32, minval=-s_in, maxval=s_in)
    W2_0 = jax.random.uniform(ks[4], (H, D), dtype=jnp.float32, minval=-s_in, maxval=s_in)
    W3_0 = jax.random.uniform(ks[5], (H, D), dtype=jnp.float32, minval=-s_in, maxval=s_in)
    # layer 1: hidden_size -> hidden_size
    W1_1 = jax.random.uniform(ks[6], (H, H), dtype=jnp.float32, minval=-s_h, maxval=s_h)
    W2_1 = jax.random.uniform(ks[7], (H, H), dtype=jnp.float32, minval=-s_h, maxval=s_h)
    W3_1 = jax.random.uniform(ks[8], (H, H), dtype=jnp.float32, minval=-s_h, maxval=s_h)
    return {"node_feats": node_feats, "edge_feats": edge_feats, "edge_index": edge_index,
            "W1_0": W1_0, "W2_0": W2_0, "W3_0": W3_0,
            "W1_1": W1_1, "W2_1": W2_1, "W3_1": W3_1}


def _layer(x, ef, src, dst, W1, W2, W3):
    n = x.shape[0]
    # message: linear1(src_feat + edge_feat), gather on src
    msg = (jnp.take(x, src, axis=0) + ef) @ W1.T
    # mean aggregation over in-edges (scatter-add + degree normalize); 0 for isolated nodes (dgl semantics)
    agg = jax.ops.segment_sum(msg, dst, num_segments=n)
    deg = jax.ops.segment_sum(jnp.ones((dst.shape[0],), dtype=x.dtype), dst, num_segments=n)
    neigh_msg = agg / jnp.maximum(deg, 1.0)[:, None]
    self_msg = x @ W2.T
    iso_msg = x @ W3.T
    self_msg = jnp.where((deg == 0)[:, None], iso_msg, self_msg)
    h = neigh_msg + self_msg
    # rrelu in eval mode == leaky relu with slope (lower+upper)/2
    return jnp.where(h >= 0, h, RRELU_SLOPE * h)


def reference(node_feats, edge_feats, edge_index, W1_0, W2_0, W3_0, W1_1, W2_1, W3_1):
    src = edge_index[0]
    dst = edge_index[1]
    # dropout layers are identity in eval mode
    h = _layer(node_feats, edge_feats, src, dst, W1_0, W2_0, W3_0)
    h = _layer(h, edge_feats, src, dst, W1_1, W2_1, W3_1)
    return h

if __name__ == "__main__":
    import jax
    _d = setup_inputs()
    print(jax.jit(kernel)(*tuple(_d.values())))

</pallas_src>

<mosaic_0001>
#map = affine_map<(d0, d1) -> (0, 0)>
#map1 = affine_map<(d0, d1) -> (0)>
#map2 = affine_map<(d0, d1) -> (0, 0, 0)>
module attributes {stable_mosaic.version = 14 : i64} {
  func.func @_sc_spmm_body(%arg0: i32, %arg1: i32, %arg2: memref<10000x128xf32, #tpu.memory_space<hbm>>, %arg3: memref<320000xi32, #tpu.memory_space<hbm>>, %arg4: memref<32x125x80xi32, #tpu.memory_space<hbm>>, %arg5: memref<10240x128xf32, #tpu.memory_space<hbm>>, %arg6: memref<2x10240x128xf32, #tpu.memory_space<hbm>>, %arg7: memref<10000xi32, #tpu.memory_space<vmem>>, %arg8: memref<125x80xi32, #tpu.memory_space<vmem>>, %arg9: memref<2x80x128xf32, #tpu.memory_space<vmem>>, %arg10: memref<10240x128xf32, #tpu.memory_space<vmem_shared>>, %arg11: memref<!tpu.dma_semaphore, #tpu.memory_space<semaphore_mem>>, %arg12: memref<!tpu.dma_semaphore, #tpu.memory_space<semaphore_mem>>, %arg13: memref<!tpu.dma_semaphore, #tpu.memory_space<semaphore_mem>>, %arg14: memref<!tpu.dma_semaphore, #tpu.memory_space<semaphore_mem>>) attributes {dimension_semantics = [#tpu.dimension_semantics<core_parallel>, #tpu.dimension_semantics<subcore_parallel>], iteration_bounds = array<i64: 2, 16>, scalar_prefetch = 0 : i64, scratch_operands = 8 : i64, tpu.core_type = #tpu.core_type<sc_vector_subcore>, window_params = [{transform_indices = #map}, {transform_indices = #map1}, {transform_indices = #map2}, {transform_indices = #map}, {transform_indices = #map2}]} {
    %mul3A = arith.constant 16 : i32
    %mul3A_0 = arith.muli %arg0, %mul3A : i32
    %add3A = arith.addi %mul3A_0, %arg1 : i32
    %mul3A_1 = arith.constant 640 : i32
    %mul3A_2 = arith.muli %arg1, %mul3A_1 : i32
    %mul3A_3 = arith.constant 640 : i32
    %mul3A_4 = arith.muli %arg1, %mul3A_3 : i32
    "tpu.region"() ({
      %run_scoped3A = tpu.sem_alloc : memref<!tpu.dma_semaphore, #tpu.memory_space<semaphore_mem>>
      %dma_start3A_76 = arith.constant 0 : i32
      %dma_start3A_77 = tpu.memref_slice %arg10[%mul3A_4, %dma_start3A_76] : memref<10240x128xf32, #tpu.memory_space<vmem_shared>> -> memref<640x128xf32, #tpu.memory_space<vmem_shared>>
      %dma_start3A_78 = arith.constant 0 : i32
      %dma_start3A_79 = tpu.memref_slice %arg5[%mul3A_2, %dma_start3A_78] : memref<10240x128xf32, #tpu.memory_space<hbm>> -> memref<640x128xf32, #tpu.memory_space<hbm>>
      tpu.enqueue_dma source(%dma_start3A_79 : memref<640x128xf32, #tpu.memory_space<hbm>>) target(%dma_start3A_77 : memref<640x128xf32, #tpu.memory_space<vmem_shared>>) target_semaphore(%run_scoped3A : memref<!tpu.dma_semaphore, #tpu.memory_space<semaphore_mem>>)
      %dma_wait3A_80 = arith.constant 0 : i32
      %dma_wait3A_81 = tpu.memref_slice %arg10[%mul3A_4, %dma_wait3A_80] : memref<10240x128xf32, #tpu.memory_space<vmem_shared>> -> memref<640x128xf32, #tpu.memory_space<vmem_shared>>
      %dma_wait3A_82 = arith.constant 0 : i32
      %dma_wait3A_83 = tpu.memref_slice %arg5[%mul3A_2, %dma_wait3A_82] : memref<10240x128xf32, #tpu.memory_space<hbm>> -> memref<640x128xf32, #tpu.memory_space<hbm>>
      tpu.wait_dma2 semaphore(%run_scoped3A : memref<!tpu.dma_semaphore, #tpu.memory_space<semaphore_mem>>) src(%dma_wait3A_83 : memref<640x128xf32, #tpu.memory_space<hbm>>) dst(%dma_wait3A_81 : memref<640x128xf32, #tpu.memory_space<vmem_shared>>)
      tpu.yield
    }) : () -> ()
    %barrier3A = arith.constant 0 : index
    tpu.barrier barrier_id(%barrier3A)
    %mul3A_5 = arith.constant 10000 : i32
    %mul3A_6 = arith.muli %add3A, %mul3A_5 : i32
    "tpu.region"() ({
      %run_scoped3A = tpu.sem_alloc : memref<!tpu.dma_semaphore, #tpu.memory_space<semaphore_mem>>
      %dma_start3A_76 = tpu.memref_slice %arg3[%mul3A_6] : memref<320000xi32, #tpu.memory_space<hbm>> -> memref<10000xi32, #tpu.memory_space<hbm>>
      %dma_start3A_77 = tpu.memref_slice %arg3[%mul3A_6] : memref<320000xi32, #tpu.memory_space<hbm>> -> memref<10000xi32, #tpu.memory_space<hbm>>
      tpu.enqueue_dma source(%dma_start3A_77 : memref<10000xi32, #tpu.memory_space<hbm>>) target(%arg7 : memref<10000xi32, #tpu.memory_space<vmem>>) target_semaphore(%run_scoped3A : memref<!tpu.dma_semaphore, #tpu.memory_space<semaphore_mem>>)
      %dma_wait3A_78 = tpu.memref_slice %arg3[%mul3A_6] : memref<320000xi32, #tpu.memory_space<hbm>> -> memref<10000xi32, #tpu.memory_space<hbm>>
      %dma_wait3A_79 = tpu.memref_slice %arg3[%mul3A_6] : memref<320000xi32, #tpu.memory_space<hbm>> -> memref<10000xi32, #tpu.memory_space<hbm>>
      tpu.wait_dma2 semaphore(%run_scoped3A : memref<!tpu.dma_semaphore, #tpu.memory_space<semaphore_mem>>) src(%dma_wait3A_79 : memref<10000xi32, #tpu.memory_space<hbm>>) dst(%arg7 : memref<10000xi32, #tpu.memory_space<vmem>>)
      tpu.yield
    }) : () -> ()
    "tpu.region"() ({
      %run_scoped3A = tpu.sem_alloc : memref<!tpu.dma_semaphore, #tpu.memory_space<semaphore_mem>>
      %dma_start3A_76 = arith.constant 0 : i32
      %dma_start3A_77 = arith.constant 0 : i32
      %dma_start3A_78 = tpu.memref_slice %arg4[%add3A, %dma_start3A_76, %dma_start3A_77] : memref<32x125x80xi32, #tpu.memory_space<hbm>> -> memref<1x125x80xi32, #tpu.memory_space<hbm>>
      %dma_start3A_79 = tpu.memref_squeeze %dma_start3A_78 : memref<1x125x80xi32, #tpu.memory_space<hbm>> -> memref<125x80xi32, #tpu.memory_space<hbm>>
      %dma_start3A_80 = arith.constant 0 : i32
      %dma_start3A_81 = arith.constant 0 : i32
      %dma_start3A_82 = tpu.memref_slice %arg4[%add3A, %dma_start3A_80, %dma_start3A_81] : memref<32x125x80xi32, #tpu.memory_space<hbm>> -> memref<1x125x80xi32, #tpu.memory_space<hbm>>
      %dma_start3A_83 = tpu.memref_squeeze %dma_start3A_82 : memref<1x125x80xi32, #tpu.memory_space<hbm>> -> memref<125x80xi32, #tpu.memory_space<hbm>>
      tpu.enqueue_dma source(%dma_start3A_83 : memref<125x80xi32, #tpu.memory_space<hbm>>) target(%arg8 : memref<125x80xi32, #tpu.memory_space<vmem>>) target_semaphore(%run_scoped3A : memref<!tpu.dma_semaphore, #tpu.memory_space<semaphore_mem>>)
      %dma_wait3A_84 = arith.constant 0 : i32
      %dma_wait3A_85 = arith.constant 0 : i32
      %dma_wait3A_86 = tpu.memref_slice %arg4[%add3A, %dma_wait3A_84, %dma_wait3A_85] : memref<32x125x80xi32, #tpu.memory_space<hbm>> -> memref<1x125x80xi32, #tpu.memory_space<hbm>>
      %dma_wait3A_87 = tpu.memref_squeeze %dma_wait3A_86 : memref<1x125x80xi32, #tpu.memory_space<hbm>> -> memref<125x80xi32, #tpu.memory_space<hbm>>
      %dma_wait3A_88 = arith.constant 0 : i32
      %dma_wait3A_89 = arith.constant 0 : i32
      %dma_wait3A_90 = tpu.memref_slice %arg4[%add3A, %dma_wait3A_88, %dma_wait3A_89] : memref<32x125x80xi32, #tpu.memory_space<hbm>> -> memref<1x125x80xi32, #tpu.memory_space<hbm>>
      %dma_wait3A_91 = tpu.memref_squeeze %dma_wait3A_90 : memref<1x125x80xi32, #tpu.memory_space<hbm>> -> memref<125x80xi32, #tpu.memory_space<hbm>>
      tpu.wait_dma2 semaphore(%run_scoped3A : memref<!tpu.dma_semaphore, #tpu.memory_space<semaphore_mem>>) src(%dma_wait3A_91 : memref<125x80xi32, #tpu.memory_space<hbm>>) dst(%arg8 : memref<125x80xi32, #tpu.memory_space<vmem>>)
      tpu.yield
    }) : () -> ()
    %dma_start3A = arith.constant 0 : i32
    %dma_start3A_7 = arith.constant 0 : i32
    %dma_start3A_8 = arith.constant 0 : i32
    %dma_start3A_9 = tpu.memref_slice %arg9[%dma_start3A, %dma_start3A_7, %dma_start3A_8] : memref<2x80x128xf32, #tpu.memory_space<vmem>> -> memref<1x80x128xf32, #tpu.memory_space<vmem>>
    %dma_start3A_10 = tpu.memref_squeeze %dma_start3A_9 : memref<1x80x128xf32, #tpu.memory_space<vmem>> -> memref<80x128xf32, #tpu.memory_space<vmem>>
    %dma_start3A_11 = arith.constant 0 : i32
    %dma_start3A_12 = tpu.memref_slice %arg7[%dma_start3A_11] : memref<10000xi32, #tpu.memory_space<vmem>> -> memref<80xi32, #tpu.memory_space<vmem>>
    %dma_start3A_13 = arith.constant 0 : i32
    %dma_start3A_14 = arith.constant 0 : i32
    %dma_start3A_15 = tpu.memref_slice %arg2[%dma_start3A_13, %dma_start3A_14] : memref<10000x128xf32, #tpu.memory_space<hbm>> -> memref<10000x128xf32, #tpu.memory_space<hbm>>
    tpu.enqueue_indirect_dma source(%dma_start3A_15 : memref<10000x128xf32, #tpu.memory_space<hbm>>) target(%dma_start3A_10 : memref<80x128xf32, #tpu.memory_space<vmem>>) offsets(%dma_start3A_12 : memref<80xi32, #tpu.memory_space<vmem>>) semaphore(%arg11 : memref<!tpu.dma_semaphore, #tpu.memory_space<semaphore_mem>>)
    %dma_start3A_16 = arith.constant 1 : i32
    %dma_start3A_17 = arith.constant 0 : i32
    %dma_start3A_18 = arith.constant 0 : i32
    %dma_start3A_19 = tpu.memref_slice %arg9[%dma_start3A_16, %dma_start3A_17, %dma_start3A_18] : memref<2x80x128xf32, #tpu.memory_space<vmem>> -> memref<1x80x128xf32, #tpu.memory_space<vmem>>
    %dma_start3A_20 = tpu.memref_squeeze %dma_start3A_19 : memref<1x80x128xf32, #tpu.memory_space<vmem>> -> memref<80x128xf32, #tpu.memory_space<vmem>>
    %dma_start3A_21 = arith.constant 80 : i32
    %dma_start3A_22 = tpu.memref_slice %arg7[%dma_start3A_21] : memref<10000xi32, #tpu.memory_space<vmem>> -> memref<80xi32, #tpu.memory_space<vmem>>
    %dma_start3A_23 = arith.constant 0 : i32
    %dma_start3A_24 = arith.constant 0 : i32
    %dma_start3A_25 = tpu.memref_slice %arg2[%dma_start3A_23, %dma_start3A_24] : memref<10000x128xf32, #tpu.memory_space<hbm>> -> memref<10000x128xf32, #tpu.memory_space<hbm>>
    tpu.enqueue_indirect_dma source(%dma_start3A_25 : memref<10000x128xf32, #tpu.memory_space<hbm>>) target(%dma_start3A_20 : memref<80x128xf32, #tpu.memory_space<vmem>>) offsets(%dma_start3A_22 : memref<80xi32, #tpu.memory_space<vmem>>) semaphore(%arg12 : memref<!tpu.dma_semaphore, #tpu.memory_space<semaphore_mem>>)
    %scan3A = arith.constant 0 : i32
    %scan3A_26 = arith.constant 0 : i32
    %scan3A_27 = arith.constant 1 : i32
    %scan3A_28 = arith.constant 0 : i32
    %scan3A_29 = arith.constant 62 : i32
    %scan3A_30 = arith.addi %scan3A_28, %scan3A_29 : i32
    %scan3A_31 = arith.constant 1 : i32
    scf.for %scan3A_76 = %scan3A_28 to %scan3A_30 step %scan3A_31  : i32 {
      %mul3A_77 = arith.constant 2 : i32
      %mul3A_78 = arith.muli %mul3A_77, %scan3A_76 : i32
      %dma_wait3A_79 = arith.constant 0 : i32
      %dma_wait3A_80 = arith.constant 0 : i32
      %dma_wait3A_81 = tpu.memref_slice %arg9[%scan3A_26, %dma_wait3A_79, %dma_wait3A_80] : memref<2x80x128xf32, #tpu.memory_space<vmem>> -> memref<1x80x128xf32, #tpu.memory_space<vmem>>
      %dma_wait3A_82 = tpu.memref_squeeze %dma_wait3A_81 : memref<1x80x128xf32, #tpu.memory_space<vmem>> -> memref<80x128xf32, #tpu.memory_space<vmem>>
      %dma_wait3A_83 = arith.constant 0 : i32
      %dma_wait3A_84 = arith.constant 0 : i32
      %dma_wait3A_85 = tpu.memref_slice %arg2[%dma_wait3A_83, %dma_wait3A_84] : memref<10000x128xf32, #tpu.memory_space<hbm>> -> memref<80x128xf32, #tpu.memory_space<hbm>>
      %dma_wait3A_86 = arith.constant 0 : i32
      %dma_wait3A_87 = arith.constant 0 : i32
      %dma_wait3A_88 = tpu.memref_slice %arg9[%scan3A_26, %dma_wait3A_86, %dma_wait3A_87] : memref<2x80x128xf32, #tpu.memory_space<vmem>> -> memref<1x80x128xf32, #tpu.memory_space<vmem>>
      %dma_wait3A_89 = tpu.memref_squeeze %dma_wait3A_88 : memref<1x80x128xf32, #tpu.memory_space<vmem>> -> memref<80x128xf32, #tpu.memory_space<vmem>>
      %dma_wait3A_90 = arith.constant 0 : i32
      %dma_wait3A_91 = arith.constant 0 : i32
      %dma_wait3A_92 = tpu.memref_slice %arg2[%dma_wait3A_90, %dma_wait3A_91] : memref<10000x128xf32, #tpu.memory_space<hbm>> -> memref<80x128xf32, #tpu.memory_space<hbm>>
      tpu.wait_dma2 semaphore(%arg11 : memref<!tpu.dma_semaphore, #tpu.memory_space<semaphore_mem>>) src(%dma_wait3A_92 : memref<80x128xf32, #tpu.memory_space<hbm>>) dst(%dma_wait3A_89 : memref<80x128xf32, #tpu.memory_space<vmem>>)
      %dma_start3A_93 = arith.constant 0 : i32
      %dma_start3A_94 = arith.constant 0 : i32
      %dma_start3A_95 = tpu.memref_slice %arg9[%scan3A_26, %dma_start3A_93, %dma_start3A_94] : memref<2x80x128xf32, #tpu.memory_space<vmem>> -> memref<1x80x128xf32, #tpu.memory_space<vmem>>
      %dma_start3A_96 = tpu.memref_squeeze %dma_start3A_95 : memref<1x80x128xf32, #tpu.memory_space<vmem>> -> memref<80x128xf32, #tpu.memory_space<vmem>>
      %dma_start3A_97 = arith.constant 0 : i32
      %dma_start3A_98 = tpu.memref_slice %arg8[%mul3A_78, %dma_start3A_97] : memref<125x80xi32, #tpu.memory_space<vmem>> -> memref<1x80xi32, #tpu.memory_space<vmem>>
      %dma_start3A_99 = tpu.memref_squeeze %dma_start3A_98 : memref<1x80xi32, #tpu.memory_space<vmem>> -> memref<80xi32, #tpu.memory_space<vmem>>
      %dma_start3A_100 = arith.constant 0 : i32
      %dma_start3A_101 = arith.constant 0 : i32
      %dma_start3A_102 = tpu.memref_slice %arg10[%dma_start3A_100, %dma_start3A_101] : memref<10240x128xf32, #tpu.memory_space<vmem_shared>> -> memref<10240x128xf32, #tpu.memory_space<vmem_shared>>
      tpu.enqueue_indirect_dma source(%dma_start3A_96 : memref<80x128xf32, #tpu.memory_space<vmem>>) target(%dma_start3A_102 : memref<10240x128xf32, #tpu.memory_space<vmem_shared>>) offsets(%dma_start3A_99 : memref<80xi32, #tpu.memory_space<vmem>>) semaphore(%arg13 : memref<!tpu.dma_semaphore, #tpu.memory_space<semaphore_mem>>) {add = true}
      %dma_wait3A_103 = arith.constant 0 : i32
      %dma_wait3A_104 = arith.constant 0 : i32
      %dma_wait3A_105 = tpu.memref_slice %arg9[%scan3A_27, %dma_wait3A_103, %dma_wait3A_104] : memref<2x80x128xf32, #tpu.memory_space<vmem>> -> memref<1x80x128xf32, #tpu.memory_space<vmem>>
      %dma_wait3A_106 = tpu.memref_squeeze %dma_wait3A_105 : memref<1x80x128xf32, #tpu.memory_space<vmem>> -> memref<80x128xf32, #tpu.memory_space<vmem>>
      %dma_wait3A_107 = arith.constant 0 : i32
      %dma_wait3A_108 = arith.constant 0 : i32
      %dma_wait3A_109 = tpu.memref_slice %arg2[%dma_wait3A_107, %dma_wait3A_108] : memref<10000x128xf32, #tpu.memory_space<hbm>> -> memref<80x128xf32, #tpu.memory_space<hbm>>
      %dma_wait3A_110 = arith.constant 0 : i32
      %dma_wait3A_111 = arith.constant 0 : i32
      %dma_wait3A_112 = tpu.memref_slice %arg9[%scan3A_27, %dma_wait3A_110, %dma_wait3A_111] : memref<2x80x128xf32, #tpu.memory_space<vmem>> -> memref<1x80x128xf32, #tpu.memory_space<vmem>>
      %dma_wait3A_113 = tpu.memref_squeeze %dma_wait3A_112 : memref<1x80x128xf32, #tpu.memory_space<vmem>> -> memref<80x128xf32, #tpu.memory_space<vmem>>
      %dma_wait3A_114 = arith.constant 0 : i32
      %dma_wait3A_115 = arith.constant 0 : i32
      %dma_wait3A_116 = tpu.memref_slice %arg2[%dma_wait3A_114, %dma_wait3A_115] : memref<10000x128xf32, #tpu.memory_space<hbm>> -> memref<80x128xf32, #tpu.memory_space<hbm>>
      tpu.wait_dma2 semaphore(%arg12 : memref<!tpu.dma_semaphore, #tpu.memory_space<semaphore_mem>>) src(%dma_wait3A_116 : memref<80x128xf32, #tpu.memory_space<hbm>>) dst(%dma_wait3A_113 : memref<80x128xf32, #tpu.memory_space<vmem>>)
      %add3A_117 = arith.constant 1 : i32
      %add3A_118 = arith.addi %mul3A_78, %add3A_117 : i32
      %dma_start3A_119 = arith.constant 0 : i32
      %dma_start3A_120 = arith.constant 0 : i32
      %dma_start3A_121 = tpu.memref_slice %arg9[%scan3A_27, %dma_start3A_119, %dma_start3A_120] : memref<2x80x128xf32, #tpu.memory_space<vmem>> -> memref<1x80x128xf32, #tpu.memory_space<vmem>>
      %dma_start3A_122 = tpu.memref_squeeze %dma_start3A_121 : memref<1x80x128xf32, #tpu.memory_space<vmem>> -> memref<80x128xf32, #tpu.memory_space<vmem>>
      %dma_start3A_123 = arith.constant 0 : i32
      %dma_start3A_124 = tpu.memref_slice %arg8[%add3A_118, %dma_start3A_123] : memref<125x80xi32, #tpu.memory_space<vmem>> -> memref<1x80xi32, #tpu.memory_space<vmem>>
      %dma_start3A_125 = tpu.memref_squeeze %dma_start3A_124 : memref<1x80xi32, #tpu.memory_space<vmem>> -> memref<80xi32, #tpu.memory_space<vmem>>
      %dma_start3A_126 = arith.constant 0 : i32
      %dma_start3A_127 = arith.constant 0 : i32
      %dma_start3A_128 = tpu.memref_slice %arg10[%dma_start3A_126, %dma_start3A_127] : memref<10240x128xf32, #tpu.memory_space<vmem_shared>> -> memref<10240x128xf32, #tpu.memory_space<vmem_shared>>
      tpu.enqueue_indirect_dma source(%dma_start3A_122 : memref<80x128xf32, #tpu.memory_space<vmem>>) target(%dma_start3A_128 : memref<10240x128xf32, #tpu.memory_space<vmem_shared>>) offsets(%dma_start3A_125 : memref<80xi32, #tpu.memory_space<vmem>>) semaphore(%arg14 : memref<!tpu.dma_semaphore, #tpu.memory_space<semaphore_mem>>) {add = true}
      %dma_wait3A_129 = arith.constant 0 : i32
      %dma_wait3A_130 = arith.constant 0 : i32
      %dma_wait3A_131 = arith.constant 0 : i32
      %dma_wait3A_132 = tpu.memref_slice %arg9[%scan3A_26, %dma_wait3A_130, %dma_wait3A_131] : memref<2x80x128xf32, #tpu.memory_space<vmem>> -> memref<1x80x128xf32, #tpu.memory_space<vmem>>
      %dma_wait3A_133 = tpu.memref_squeeze %dma_wait3A_132 : memref<1x80x128xf32, #tpu.memory_space<vmem>> -> memref<80x128xf32, #tpu.memory_space<vmem>>
      %dma_wait3A_134 = arith.constant 0 : i32
      %dma_wait3A_135 = tpu.memref_slice %arg8[%dma_wait3A_129, %dma_wait3A_134] : memref<125x80xi32, #tpu.memory_space<vmem>> -> memref<1x80xi32, #tpu.memory_space<vmem>>
      %dma_wait3A_136 = tpu.memref_squeeze %dma_wait3A_135 : memref<1x80xi32, #tpu.memory_space<vmem>> -> memref<80xi32, #tpu.memory_space<vmem>>
      %dma_wait3A_137 = arith.constant 0 : i32
      %dma_wait3A_138 = arith.constant 0 : i32
      %dma_wait3A_139 = tpu.memref_slice %arg10[%dma_wait3A_137, %dma_wait3A_138] : memref<10240x128xf32, #tpu.memory_space<vmem_shared>> -> memref<10240x128xf32, #tpu.memory_space<vmem_shared>>
      tpu.wait_indirect_dma semaphore(%arg13 : memref<!tpu.dma_semaphore, #tpu.memory_space<semaphore_mem>>) src(%dma_wait3A_133 : memref<80x128xf32, #tpu.memory_space<vmem>>) dst(%dma_wait3A_139 : memref<10240x128xf32, #tpu.memory_space<vmem_shared>>)
      %add3A_140 = arith.constant 2 : i32
      %add3A_141 = arith.addi %mul3A_78, %add3A_140 : i32
      %mul3A_142 = arith.constant 80 : i32
      %mul3A_143 = arith.muli %add3A_141, %mul3A_142 : i32
      %dma_start3A_144 = arith.constant 0 : i32
      %dma_start3A_145 = arith.constant 0 : i32
      %dma_start3A_146 = tpu.memref_slice %arg9[%scan3A_26, %dma_start3A_144, %dma_start3A_145] : memref<2x80x128xf32, #tpu.memory_space<vmem>> -> memref<1x80x128xf32, #tpu.memory_space<vmem>>
      %dma_start3A_147 = tpu.memref_squeeze %dma_start3A_146 : memref<1x80x128xf32, #tpu.memory_space<vmem>> -> memref<80x128xf32, #tpu.memory_space<vmem>>
      %dma_start3A_148 = tpu.memref_slice %arg7[%mul3A_143] : memref<10000xi32, #tpu.memory_space<vmem>> -> memref<80xi32, #tpu.memory_space<vmem>>
      %dma_start3A_149 = arith.constant 0 : i32
      %dma_start3A_150 = arith.constant 0 : i32
      %dma_start3A_151 = tpu.memref_slice %arg2[%dma_start3A_149, %dma_start3A_150] : memref<10000x128xf32, #tpu.memory_space<hbm>> -> memref<10000x128xf32, #tpu.memory_space<hbm>>
      tpu.enqueue_indirect_dma source(%dma_start3A_151 : memref<10000x128xf32, #tpu.memory_space<hbm>>) target(%dma_start3A_147 : memref<80x128xf32, #tpu.memory_space<vmem>>) offsets(%dma_start3A_148 : memref<80xi32, #tpu.memory_space<vmem>>) semaphore(%arg11 : memref<!tpu.dma_semaphore, #tpu.memory_space<semaphore_mem>>)
      %dma_wait3A_152 = arith.constant 0 : i32
      %dma_wait3A_153 = arith.constant 0 : i32
      %dma_wait3A_154 = arith.constant 0 : i32
      %dma_wait3A_155 = tpu.memref_slice %arg9[%scan3A_27, %dma_wait3A_153, %dma_wait3A_154] : memref<2x80x128xf32, #tpu.memory_space<vmem>> -> memref<1x80x128xf32, #tpu.memory_space<vmem>>
      %dma_wait3A_156 = tpu.memref_squeeze %dma_wait3A_155 : memref<1x80x128xf32, #tpu.memory_space<vmem>> -> memref<80x128xf32, #tpu.memory_space<vmem>>
      %dma_wait3A_157 = arith.constant 0 : i32
      %dma_wait3A_158 = tpu.memref_slice %arg8[%dma_wait3A_152, %dma_wait3A_157] : memref<125x80xi32, #tpu.memory_space<vmem>> -> memref<1x80xi32, #tpu.memory_space<vmem>>
      %dma_wait3A_159 = tpu.memref_squeeze %dma_wait3A_158 : memref<1x80xi32, #tpu.memory_space<vmem>> -> memref<80xi32, #tpu.memory_space<vmem>>
      %dma_wait3A_160 = arith.constant 0 : i32
      %dma_wait3A_161 = arith.constant 0 : i32
      %dma_wait3A_162 = tpu.memref_slice %arg10[%dma_wait3A_160, %dma_wait3A_161] : memref<10240x128xf32, #tpu.memory_space<vmem_shared>> -> memref<10240x128xf32, #tpu.memory_space<vmem_shared>>
      tpu.wait_indirect_dma semaphore(%arg14 : memref<!tpu.dma_semaphore, #tpu.memory_space<semaphore_mem>>) src(%dma_wait3A_156 : memref<80x128xf32, #tpu.memory_space<vmem>>) dst(%dma_wait3A_162 : memref<10240x128xf32, #tpu.memory_space<vmem_shared>>)
      %add3A_163 = arith.constant 3 : i32
      %add3A_164 = arith.addi %mul3A_78, %add3A_163 : i32
      %lt3A = arith.constant 125 : i32
      %lt3A_165 = arith.cmpi slt, %add3A_164, %lt3A : i32
      %convert_element_type3A = arith.extui %lt3A_165 : i1 to i32
      %cond3A = arith.constant 0 : i32
      %cond3A_166 = arith.cmpi ne, %convert_element_type3A, %cond3A : i32
      scf.if %cond3A_166 {
        %add3A_167 = arith.constant 3 : i32
        %add3A_168 = arith.addi %mul3A_78, %add3A_167 : i32
        %mul3A_169 = arith.constant 80 : i32
        %mul3A_170 = arith.muli %add3A_168, %mul3A_169 : i32
        %dma_start3A_171 = arith.constant 0 : i32
        %dma_start3A_172 = arith.constant 0 : i32
        %dma_start3A_173 = tpu.memref_slice %arg9[%scan3A_27, %dma_start3A_171, %dma_start3A_172] : memref<2x80x128xf32, #tpu.memory_space<vmem>> -> memref<1x80x128xf32, #tpu.memory_space<vmem>>
        %dma_start3A_174 = tpu.memref_squeeze %dma_start3A_173 : memref<1x80x128xf32, #tpu.memory_space<vmem>> -> memref<80x128xf32, #tpu.memory_space<vmem>>
        %dma_start3A_175 = tpu.memref_slice %arg7[%mul3A_170] : memref<10000xi32, #tpu.memory_space<vmem>> -> memref<80xi32, #tpu.memory_space<vmem>>
        %dma_start3A_176 = arith.constant 0 : i32
        %dma_start3A_177 = arith.constant 0 : i32
        %dma_start3A_178 = tpu.memref_slice %arg2[%dma_start3A_176, %dma_start3A_177] : memref<10000x128xf32, #tpu.memory_space<hbm>> -> memref<10000x128xf32, #tpu.memory_space<hbm>>
        tpu.enqueue_indirect_dma source(%dma_start3A_178 : memref<10000x128xf32, #tpu.memory_space<hbm>>) target(%dma_start3A_174 : memref<80x128xf32, #tpu.memory_space<vmem>>) offsets(%dma_start3A_175 : memref<80xi32, #tpu.memory_space<vmem>>) semaphore(%arg12 : memref<!tpu.dma_semaphore, #tpu.memory_space<semaphore_mem>>)
      } else {
      }
    }
    %scan3A_32 = arith.constant 62 : i32
    %dma_wait3A = arith.constant 0 : i32
    %dma_wait3A_33 = arith.constant 0 : i32
    %dma_wait3A_34 = arith.constant 0 : i32
    %dma_wait3A_35 = tpu.memref_slice %arg9[%dma_wait3A, %dma_wait3A_33, %dma_wait3A_34] : memref<2x80x128xf32, #tpu.memory_space<vmem>> -> memref<1x80x128xf32, #tpu.memory_space<vmem>>
    %dma_wait3A_36 = tpu.memref_squeeze %dma_wait3A_35 : memref<1x80x128xf32, #tpu.memory_space<vmem>> -> memref<80x128xf32, #tpu.memory_space<vmem>>
    %dma_wait3A_37 = arith.constant 0 : i32
    %dma_wait3A_38 = arith.constant 0 : i32
    %dma_wait3A_39 = tpu.memref_slice %arg2[%dma_wait3A_37, %dma_wait3A_38] : memref<10000x128xf32, #tpu.memory_space<hbm>> -> memref<80x128xf32, #tpu.memory_space<hbm>>
    %dma_wait3A_40 = arith.constant 0 : i32
    %dma_wait3A_41 = arith.constant 0 : i32
    %dma_wait3A_42 = tpu.memref_slice %arg9[%dma_wait3A, %dma_wait3A_40, %dma_wait3A_41] : memref<2x80x128xf32, #tpu.memory_space<vmem>> -> memref<1x80x128xf32, #tpu.memory_space<vmem>>
    %dma_wait3A_43 = tpu.memref_squeeze %dma_wait3A_42 : memref<1x80x128xf32, #tpu.memory_space<vmem>> -> memref<80x128xf32, #tpu.memory_space<vmem>>
    %dma_wait3A_44 = arith.constant 0 : i32
    %dma_wait3A_45 = arith.constant 0 : i32
    %dma_wait3A_46 = tpu.memref_slice %arg2[%dma_wait3A_44, %dma_wait3A_45] : memref<10000x128xf32, #tpu.memory_space<hbm>> -> memref<80x128xf32, #tpu.memory_space<hbm>>
    tpu.wait_dma2 semaphore(%arg11 : memref<!tpu.dma_semaphore, #tpu.memory_space<semaphore_mem>>) src(%dma_wait3A_46 : memref<80x128xf32, #tpu.memory_space<hbm>>) dst(%dma_wait3A_43 : memref<80x128xf32, #tpu.memory_space<vmem>>)
    %dma_start3A_47 = arith.constant 0 : i32
    %dma_start3A_48 = arith.constant 124 : i32
    %dma_start3A_49 = arith.constant 0 : i32
    %dma_start3A_50 = arith.constant 0 : i32
    %dma_start3A_51 = tpu.memref_slice %arg9[%dma_start3A_47, %dma_start3A_49, %dma_start3A_50] : memref<2x80x128xf32, #tpu.memory_space<vmem>> -> memref<1x80x128xf32, #tpu.memory_space<vmem>>
    %dma_start3A_52 = tpu.memref_squeeze %dma_start3A_51 : memref<1x80x128xf32, #tpu.memory_space<vmem>> -> memref<80x128xf32, #tpu.memory_space<vmem>>
    %dma_start3A_53 = arith.constant 0 : i32
    %dma_start3A_54 = tpu.memref_slice %arg8[%dma_start3A_48, %dma_start3A_53] : memref<125x80xi32, #tpu.memory_space<vmem>> -> memref<1x80xi32, #tpu.memory_space<vmem>>
    %dma_start3A_55 = tpu.memref_squeeze %dma_start3A_54 : memref<1x80xi32, #tpu.memory_space<vmem>> -> memref<80xi32, #tpu.memory_space<vmem>>
    %dma_start3A_56 = arith.constant 0 : i32
    %dma_start3A_57 = arith.constant 0 : i32
    %dma_start3A_58 = tpu.memref_slice %arg10[%dma_start3A_56, %dma_start3A_57] : memref<10240x128xf32, #tpu.memory_space<vmem_shared>> -> memref<10240x128xf32, #tpu.memory_space<vmem_shared>>
    tpu.enqueue_indirect_dma source(%dma_start3A_52 : memref<80x128xf32, #tpu.memory_space<vmem>>) target(%dma_start3A_58 : memref<10240x128xf32, #tpu.memory_space<vmem_shared>>) offsets(%dma_start3A_55 : memref<80xi32, #tpu.memory_space<vmem>>) semaphore(%arg13 : memref<!tpu.dma_semaphore, #tpu.memory_space<semaphore_mem>>) {add = true}
    %dma_wait3A_59 = arith.constant 0 : i32
    %dma_wait3A_60 = arith.constant 0 : i32
    %dma_wait3A_61 = arith.constant 0 : i32
    %dma_wait3A_62 = arith.constant 0 : i32
    %dma_wait3A_63 = tpu.memref_slice %arg9[%dma_wait3A_59, %dma_wait3A_61, %dma_wait3A_62] : memref<2x80x128xf32, #tpu.memory_space<vmem>> -> memref<1x80x128xf32, #tpu.memory_space<vmem>>
    %dma_wait3A_64 = tpu.memref_squeeze %dma_wait3A_63 : memref<1x80x128xf32, #tpu.memory_space<vmem>> -> memref<80x128xf32, #tpu.memory_space<vmem>>
    %dma_wait3A_65 = arith.constant 0 : i32
    %dma_wait3A_66 = tpu.memref_slice %arg8[%dma_wait3A_60, %dma_wait3A_65] : memref<125x80xi32, #tpu.memory_space<vmem>> -> memref<1x80xi32, #tpu.memory_space<vmem>>
    %dma_wait3A_67 = tpu.memref_squeeze %dma_wait3A_66 : memref<1x80xi32, #tpu.memory_space<vmem>> -> memref<80xi32, #tpu.memory_space<vmem>>
    %dma_wait3A_68 = arith.constant 0 : i32
    %dma_wait3A_69 = arith.constant 0 : i32
    %dma_wait3A_70 = tpu.memref_slice %arg10[%dma_wait3A_68, %dma_wait3A_69] : memref<10240x128xf32, #tpu.memory_space<vmem_shared>> -> memref<10240x128xf32, #tpu.memory_space<vmem_shared>>
    tpu.wait_indirect_dma semaphore(%arg13 : memref<!tpu.dma_semaphore, #tpu.memory_space<semaphore_mem>>) src(%dma_wait3A_64 : memref<80x128xf32, #tpu.memory_space<vmem>>) dst(%dma_wait3A_70 : memref<10240x128xf32, #tpu.memory_space<vmem_shared>>)
    %barrier3A_71 = arith.constant 0 : index
    tpu.barrier barrier_id(%barrier3A_71)
    %mul3A_72 = arith.constant 640 : i32
    %mul3A_73 = arith.muli %arg1, %mul3A_72 : i32
    %mul3A_74 = arith.constant 640 : i32
    %mul3A_75 = arith.muli %arg1, %mul3A_74 : i32
    "tpu.region"() ({
      %run_scoped3A = tpu.sem_alloc : memref<!tpu.dma_semaphore, #tpu.memory_space<semaphore_mem>>
      %dma_start3A_76 = arith.constant 0 : i32
      %dma_start3A_77 = tpu.memref_slice %arg6[%arg0, %mul3A_75, %dma_start3A_76] : memref<2x10240x128xf32, #tpu.memory_space<hbm>> -> memref<1x640x128xf32, #tpu.memory_space<hbm>>
      %dma_start3A_78 = tpu.memref_squeeze %dma_start3A_77 : memref<1x640x128xf32, #tpu.memory_space<hbm>> -> memref<640x128xf32, #tpu.memory_space<hbm>>
      %dma_start3A_79 = arith.constant 0 : i32
      %dma_start3A_80 = tpu.memref_slice %arg10[%mul3A_73, %dma_start3A_79] : memref<10240x128xf32, #tpu.memory_space<vmem_shared>> -> memref<640x128xf32, #tpu.memory_space<vmem_shared>>
      tpu.enqueue_dma source(%dma_start3A_80 : memref<640x128xf32, #tpu.memory_space<vmem_shared>>) target(%dma_start3A_78 : memref<640x128xf32, #tpu.memory_space<hbm>>) target_semaphore(%run_scoped3A : memref<!tpu.dma_semaphore, #tpu.memory_space<semaphore_mem>>)
      %dma_wait3A_81 = arith.constant 0 : i32
      %dma_wait3A_82 = tpu.memref_slice %arg6[%arg0, %mul3A_75, %dma_wait3A_81] : memref<2x10240x128xf32, #tpu.memory_space<hbm>> -> memref<1x640x128xf32, #tpu.memory_space<hbm>>
      %dma_wait3A_83 = tpu.memref_squeeze %dma_wait3A_82 : memref<1x640x128xf32, #tpu.memory_space<hbm>> -> memref<640x128xf32, #tpu.memory_space<hbm>>
      %dma_wait3A_84 = arith.constant 0 : i32
      %dma_wait3A_85 = tpu.memref_slice %arg10[%mul3A_73, %dma_wait3A_84] : memref<10240x128xf32, #tpu.memory_space<vmem_shared>> -> memref<640x128xf32, #tpu.memory_space<vmem_shared>>
      tpu.wait_dma2 semaphore(%run_scoped3A : memref<!tpu.dma_semaphore, #tpu.memory_space<semaphore_mem>>) src(%dma_wait3A_85 : memref<640x128xf32, #tpu.memory_space<vmem_shared>>) dst(%dma_wait3A_83 : memref<640x128xf32, #tpu.memory_space<hbm>>)
      tpu.yield
    }) : () -> ()
    return
  }
}

#map = affine_map<(d0, d1) -> (0, 0)>
#map1 = affine_map<(d0, d1) -> (0, 0, 0)>
#map2 = affine_map<(d0, d1) -> (0)>
module attributes {stable_mosaic.version = 14 : i64} {
  func.func @_sc_ef_deg_body(%arg0: i32, %arg1: i32, %arg2: memref<320000x128xf32, #tpu.memory_space<hbm>>, %arg3: memref<32x125x80xi32, #tpu.memory_space<hbm>>, %arg4: memref<10240x128xf32, #tpu.memory_space<hbm>>, %arg5: memref<10240xf32, #tpu.memory_space<hbm>>, %arg6: memref<2x10240x128xf32, #tpu.memory_space<hbm>>, %arg7: memref<2x10240xf32, #tpu.memory_space<hbm>>, %arg8: memref<125x80xi32, #tpu.memory_space<vmem>>, %arg9: memref<2x80x128xf32, #tpu.memory_space<vmem>>, %arg10: memref<80xf32, #tpu.memory_space<vmem>>, %arg11: memref<10240x128xf32, #tpu.memory_space<vmem_shared>>, %arg12: memref<10240xf32, #tpu.memory_space<vmem_shared>>, %arg13: memref<!tpu.dma_semaphore, #tpu.memory_space<semaphore_mem>>, %arg14: memref<!tpu.dma_semaphore, #tpu.memory_space<semaphore_mem>>, %arg15: memref<!tpu.dma_semaphore, #tpu.memory_space<semaphore_mem>>, %arg16: memref<!tpu.dma_semaphore, #tpu.memory_space<semaphore_mem>>, %arg17: memref<!tpu.dma_semaphore, #tpu.memory_space<semaphore_mem>>) attributes {dimension_semantics = [#tpu.dimension_semantics<core_parallel>, #tpu.dimension_semantics<subcore_parallel>], iteration_bounds = array<i64: 2, 16>, scalar_prefetch = 0 : i64, scratch_operands = 10 : i64, tpu.core_type = #tpu.core_type<sc_vector_subcore>, window_params = [{transform_indices = #map}, {transform_indices = #map1}, {transform_indices = #map}, {transform_indices = #map2}, {transform_indices = #map1}, {transform_indices = #map}]} {
    %mul3A = arith.constant 16 : i32
    %mul3A_0 = arith.muli %arg0, %mul3A : i32
    %add3A = arith.addi %mul3A_0, %arg1 : i32
    %broadcast_in_dim3A = arith.constant 1.000000e+00 : f32
    %broadcast_in_dim3A_1 = vector.broadcast %broadcast_in_dim3A : f32 to vector<16xf32>
    %swap3A = arith.constant 0 : index
    %swap3A_2 = tpu.vector_load %arg10[%swap3A] {strides = array<i32>} : memref<80xf32, #tpu.memory_space<vmem>>, vector<16xf32>,
    %swap3A_3 = vector.shape_cast %swap3A_2 : vector<16xf32> to vector<16xf32>
    %swap3A_4 = vector.shape_cast %broadcast_in_dim3A_1 : vector<16xf32> to vector<16xf32>
    tpu.vector_store %arg10[%swap3A], %swap3A_4 {strides = array<i32>} : memref<80xf32, #tpu.memory_space<vmem>>, vector<16xf32>,
    %swap3A_5 = arith.constant 16 : index
    %swap3A_6 = tpu.vector_load %arg10[%swap3A_5] {strides = array<i32>} : memref<80xf32, #tpu.memory_space<vmem>>, vector<16xf32>,
    %swap3A_7 = vector.shape_cast %swap3A_6 : vector<16xf32> to vector<16xf32>
    %swap3A_8 = vector.shape_cast %broadcast_in_dim3A_1 : vector<16xf32> to vector<16xf32>
    tpu.vector_store %arg10[%swap3A_5], %swap3A_8 {strides = array<i32>} : memref<80xf32, #tpu.memory_space<vmem>>, vector<16xf32>,
    %swap3A_9 = arith.constant 32 : index
    %swap3A_10 = tpu.vector_load %arg10[%swap3A_9] {strides = array<i32>} : memref<80xf32, #tpu.memory_space<vmem>>, vector<16xf32>,
    %swap3A_11 = vector.shape_cast %swap3A_10 : vector<16xf32> to vector<16xf32>
    %swap3A_12 = vector.shape_cast %broadcast_in_dim3A_1 : vector<16xf32> to vector<16xf32>
    tpu.vector_store %arg10[%swap3A_9], %swap3A_12 {strides = array<i32>} : memref<80xf32, #tpu.memory_space<vmem>>, vector<16xf32>,
    %swap3A_13 = arith.constant 48 : index
    %swap3A_14 = tpu.vector_load %arg10[%swap3A_13] {strides = array<i32>} : memref<80xf32, #tpu.memory_space<vmem>>, vector<16xf32>,
    %swap3A_15 = vector.shape_cast %swap3A_14 : vector<16xf32> to vector<16xf32>
    %swap3A_16 = vector.shape_cast %broadcast_in_dim3A_1 : vector<16xf32> to vector<16xf32>
    tpu.vector_store %arg10[%swap3A_13], %swap3A_16 {strides = array<i32>} : memref<80xf32, #tpu.memory_space<vmem>>, vector<16xf32>,
    %swap3A_17 = arith.constant 64 : index
    %swap3A_18 = tpu.vector_load %arg10[%swap3A_17] {strides = array<i32>} : memref<80xf32, #tpu.memory_space<vmem>>, vector<16xf32>,
    %swap3A_19 = vector.shape_cast %swap3A_18 : vector<16xf32> to vector<16xf32>
    %swap3A_20 = vector.shape_cast %broadcast_in_dim3A_1 : vector<16xf32> to vector<16xf32>
    tpu.vector_store %arg10[%swap3A_17], %swap3A_20 {strides = array<i32>} : memref<80xf32, #tpu.memory_space<vmem>>, vector<16xf32>,
    %mul3A_21 = arith.constant 640 : i32
    %mul3A_22 = arith.muli %arg1, %mul3A_21 : i32
    %mul3A_23 = arith.constant 640 : i32
    %mul3A_24 = arith.muli %arg1, %mul3A_23 : i32
    "tpu.region"() ({
      %run_scoped3A = tpu.sem_alloc : memref<!tpu.dma_semaphore, #tpu.memory_space<semaphore_mem>>
      %dma_start3A_128 = arith.constant 0 : i32
      %dma_start3A_129 = tpu.memref_slice %arg11[%mul3A_24, %dma_start3A_128] : memref<10240x128xf32, #tpu.memory_space<vmem_shared>> -> memref<640x128xf32, #tpu.memory_space<vmem_shared>>
      %dma_start3A_130 = arith.constant 0 : i32
      %dma_start3A_131 = tpu.memref_slice %arg4[%mul3A_22, %dma_start3A_130] : memref<10240x128xf32, #tpu.memory_space<hbm>> -> memref<640x128xf32, #tpu.memory_space<hbm>>
      tpu.enqueue_dma source(%dma_start3A_131 : memref<640x128xf32, #tpu.memory_space<hbm>>) target(%dma_start3A_129 : memref<640x128xf32, #tpu.memory_space<vmem_shared>>) target_semaphore(%run_scoped3A : memref<!tpu.dma_semaphore, #tpu.memory_space<semaphore_mem>>)
      %dma_wait3A_132 = arith.constant 0 : i32
      %dma_wait3A_133 = tpu.memref_slice %arg11[%mul3A_24, %dma_wait3A_132] : memref<10240x128xf32, #tpu.memory_space<vmem_shared>> -> memref<640x128xf32, #tpu.memory_space<vmem_shared>>
      %dma_wait3A_134 = arith.constant 0 : i32
      %dma_wait3A_135 = tpu.memref_slice %arg4[%mul3A_22, %dma_wait3A_134] : memref<10240x128xf32, #tpu.memory_space<hbm>> -> memref<640x128xf32, #tpu.memory_space<hbm>>
      tpu.wait_dma2 semaphore(%run_scoped3A : memref<!tpu.dma_semaphore, #tpu.memory_space<semaphore_mem>>) src(%dma_wait3A_135 : memref<640x128xf32, #tpu.memory_space<hbm>>) dst(%dma_wait3A_133 : memref<640x128xf32, #tpu.memory_space<vmem_shared>>)
      tpu.yield
    }) : () -> ()
    %mul3A_25 = arith.constant 640 : i32
    %mul3A_26 = arith.muli %arg1, %mul3A_25 : i32
    %mul3A_27 = arith.constant 640 : i32
    %mul3A_28 = arith.muli %arg1, %mul3A_27 : i32
    "tpu.region"() ({
      %run_scoped3A = tpu.sem_alloc : memref<!tpu.dma_semaphore, #tpu.memory_space<semaphore_mem>>
      %dma_start3A_128 = tpu.memref_slice %arg12[%mul3A_28] : memref<10240xf32, #tpu.memory_space<vmem_shared>> -> memref<640xf32, #tpu.memory_space<vmem_shared>>
      %dma_start3A_129 = tpu.memref_slice %arg5[%mul3A_26] : memref<10240xf32, #tpu.memory_space<hbm>> -> memref<640xf32, #tpu.memory_space<hbm>>
      tpu.enqueue_dma source(%dma_start3A_129 : memref<640xf32, #tpu.memory_space<hbm>>) target(%dma_start3A_128 : memref<640xf32, #tpu.memory_space<vmem_shared>>) target_semaphore(%run_scoped3A : memref<!tpu.dma_semaphore, #tpu.memory_space<semaphore_mem>>)
      %dma_wait3A_130 = tpu.memref_slice %arg12[%mul3A_28] : memref<10240xf32, #tpu.memory_space<vmem_shared>> -> memref<640xf32, #tpu.memory_space<vmem_shared>>
      %dma_wait3A_131 = tpu.memref_slice %arg5[%mul3A_26] : memref<10240xf32, #tpu.memory_space<hbm>> -> memref<640xf32, #tpu.memory_space<hbm>>
      tpu.wait_dma2 semaphore(%run_scoped3A : memref<!tpu.dma_semaphore, #tpu.memory_space<semaphore_mem>>) src(%dma_wait3A_131 : memref<640xf32, #tpu.memory_space<hbm>>) dst(%dma_wait3A_130 : memref<640xf32, #tpu.memory_space<vmem_shared>>)
      tpu.yield
    }) : () -> ()
    %barrier3A = arith.constant 0 : index
    tpu.barrier barrier_id(%barrier3A)
    "tpu.region"() ({
      %run_scoped3A = tpu.sem_alloc : memref<!tpu.dma_semaphore, #tpu.memory_space<semaphore_mem>>
      %dma_start3A_128 = arith.constant 0 : i32
      %dma_start3A_129 = arith.constant 0 : i32
      %dma_start3A_130 = tpu.memref_slice %arg3[%add3A, %dma_start3A_128, %dma_start3A_129] : memref<32x125x80xi32, #tpu.memory_space<hbm>> -> memref<1x125x80xi32, #tpu.memory_space<hbm>>
      %dma_start3A_131 = tpu.memref_squeeze %dma_start3A_130 : memref<1x125x80xi32, #tpu.memory_space<hbm>> -> memref<125x80xi32, #tpu.memory_space<hbm>>
      %dma_start3A_132 = arith.constant 0 : i32
      %dma_start3A_133 = arith.constant 0 : i32
      %dma_start3A_134 = tpu.memref_slice %arg3[%add3A, %dma_start3A_132, %dma_start3A_133] : memref<32x125x80xi32, #tpu.memory_space<hbm>> -> memref<1x125x80xi32, #tpu.memory_space<hbm>>
      %dma_start3A_135 = tpu.memref_squeeze %dma_start3A_134 : memref<1x125x80xi32, #tpu.memory_space<hbm>> -> memref<125x80xi32, #tpu.memory_space<hbm>>
      tpu.enqueue_dma source(%dma_start3A_135 : memref<125x80xi32, #tpu.memory_space<hbm>>) target(%arg8 : memref<125x80xi32, #tpu.memory_space<vmem>>) target_semaphore(%run_scoped3A : memref<!tpu.dma_semaphore, #tpu.memory_space<semaphore_mem>>)
      %dma_wait3A_136 = arith.constant 0 : i32
      %dma_wait3A_137 = arith.constant 0 : i32
      %dma_wait3A_138 = tpu.memref_slice %arg3[%add3A, %dma_wait3A_136, %dma_wait3A_137] : memref<32x125x80xi32, #tpu.memory_space<hbm>> -> memref<1x125x80xi32, #tpu.memory_space<hbm>>
      %dma_wait3A_139 = tpu.memref_squeeze %dma_wait3A_138 : memref<1x125x80xi32, #tpu.memory_space<hbm>> -> memref<125x80xi32, #tpu.memory_space<hbm>>
      %dma_wait3A_140 = arith.constant 0 : i32
      %dma_wait3A_141 = arith.constant 0 : i32
      %dma_wait3A_142 = tpu.memref_slice %arg3[%add3A, %dma_wait3A_140, %dma_wait3A_141] : memref<32x125x80xi32, #tpu.memory_space<hbm>> -> memref<1x125x80xi32, #tpu.memory_space<hbm>>
      %dma_wait3A_143 = tpu.memref_squeeze %dma_wait3A_142 : memref<1x125x80xi32, #tpu.memory_space<hbm>> -> memref<125x80xi32, #tpu.memory_space<hbm>>
      tpu.wait_dma2 semaphore(%run_scoped3A : memref<!tpu.dma_semaphore, #tpu.memory_space<semaphore_mem>>) src(%dma_wait3A_143 : memref<125x80xi32, #tpu.memory_space<hbm>>) dst(%arg8 : memref<125x80xi32, #tpu.memory_space<vmem>>)
      tpu.yield
    }) : () -> ()
    %mul3A_29 = arith.constant 10000 : i32
    %mul3A_30 = arith.muli %add3A, %mul3A_29 : i32
    %add3A_31 = arith.constant 0 : i32
    %add3A_32 = arith.addi %mul3A_30, %add3A_31 : i32
    %dma_start3A = arith.constant 0 : i32
    %dma_start3A_33 = arith.constant 0 : i32
    %dma_start3A_34 = arith.constant 0 : i32
    %dma_start3A_35 = tpu.memref_slice %arg9[%dma_start3A, %dma_start3A_33, %dma_start3A_34] : memref<2x80x128xf32, #tpu.memory_space<vmem>> -> memref<1x80x128xf32, #tpu.memory_space<vmem>>
    %dma_start3A_36 = tpu.memref_squeeze %dma_start3A_35 : memref<1x80x128xf32, #tpu.memory_space<vmem>> -> memref<80x128xf32, #tpu.memory_space<vmem>>
    %dma_start3A_37 = arith.constant 0 : i32
    %dma_start3A_38 = tpu.memref_slice %arg2[%add3A_32, %dma_start3A_37] : memref<320000x128xf32, #tpu.memory_space<hbm>> -> memref<80x128xf32, #tpu.memory_space<hbm>>
    %dma_start3A_39 = arith.constant 0 : i32
    %dma_start3A_40 = arith.constant 0 : i32
    %dma_start3A_41 = tpu.memref_slice %arg9[%dma_start3A, %dma_start3A_39, %dma_start3A_40] : memref<2x80x128xf32, #tpu.memory_space<vmem>> -> memref<1x80x128xf32, #tpu.memory_space<vmem>>
    %dma_start3A_42 = tpu.memref_squeeze %dma_start3A_41 : memref<1x80x128xf32, #tpu.memory_space<vmem>> -> memref<80x128xf32, #tpu.memory_space<vmem>>
    %dma_start3A_43 = arith.constant 0 : i32
    %dma_start3A_44 = tpu.memref_slice %arg2[%add3A_32, %dma_start3A_43] : memref<320000x128xf32, #tpu.memory_space<hbm>> -> memref<80x128xf32, #tpu.memory_space<hbm>>
    tpu.enqueue_dma source(%dma_start3A_44 : memref<80x128xf32, #tpu.memory_space<hbm>>) target(%dma_start3A_42 : memref<80x128xf32, #tpu.memory_space<vmem>>) target_semaphore(%arg13 : memref<!tpu.dma_semaphore, #tpu.memory_space<semaphore_mem>>)
    %mul3A_45 = arith.constant 10000 : i32
    %mul3A_46 = arith.muli %add3A, %mul3A_45 : i32
    %add3A_47 = arith.constant 80 : i32
    %add3A_48 = arith.addi %mul3A_46, %add3A_47 : i32
    %dma_start3A_49 = arith.constant 1 : i32
    %dma_start3A_50 = arith.constant 0 : i32
    %dma_start3A_51 = arith.constant 0 : i32
    %dma_start3A_52 = tpu.memref_slice %arg9[%dma_start3A_49, %dma_start3A_50, %dma_start3A_51] : memref<2x80x128xf32, #tpu.memory_space<vmem>> -> memref<1x80x128xf32, #tpu.memory_space<vmem>>
    %dma_start3A_53 = tpu.memref_squeeze %dma_start3A_52 : memref<1x80x128xf32, #tpu.memory_space<vmem>> -> memref<80x128xf32, #tpu.memory_space<vmem>>
    %dma_start3A_54 = arith.constant 0 : i32
    %dma_start3A_55 = tpu.memref_slice %arg2[%add3A_48, %dma_start3A_54] : memref<320000x128xf32, #tpu.memory_space<hbm>> -> memref<80x128xf32, #tpu.memory_space<hbm>>
    %dma_start3A_56 = arith.constant 0 : i32
    %dma_start3A_57 = arith.constant 0 : i32
    %dma_start3A_58 = tpu.memref_slice %arg9[%dma_start3A_49, %dma_start3A_56, %dma_start3A_57] : memref<2x80x128xf32, #tpu.memory_space<vmem>> -> memref<1x80x128xf32, #tpu.memory_space<vmem>>
    %dma_start3A_59 = tpu.memref_squeeze %dma_start3A_58 : memref<1x80x128xf32, #tpu.memory_space<vmem>> -> memref<80x128xf32, #tpu.memory_space<vmem>>
    %dma_start3A_60 = arith.constant 0 : i32
    %dma_start3A_61 = tpu.memref_slice %arg2[%add3A_48, %dma_start3A_60] : memref<320000x128xf32, #tpu.memory_space<hbm>> -> memref<80x128xf32, #tpu.memory_space<hbm>>
    tpu.enqueue_dma source(%dma_start3A_61 : memref<80x128xf32, #tpu.memory_space<hbm>>) target(%dma_start3A_59 : memref<80x128xf32, #tpu.memory_space<vmem>>) target_semaphore(%arg14 : memref<!tpu.dma_semaphore, #tpu.memory_space<semaphore_mem>>)
    %scan3A = arith.constant 0 : i32
    %scan3A_62 = arith.constant 0 : i32
    %scan3A_63 = arith.constant 1 : i32
    %scan3A_64 = arith.constant 0 : i32
    %scan3A_65 = arith.constant 62 : i32
    %scan3A_66 = arith.addi %scan3A_64, %scan3A_65 : i32
    %scan3A_67 = arith.constant 1 : i32
    scf.for %scan3A_128 = %scan3A_64 to %scan3A_66 step %scan3A_67  : i32 {
      %mul3A_129 = arith.constant 2 : i32
      %mul3A_130 = arith.muli %mul3A_129, %scan3A_128 : i32
      %dma_wait3A_131 = arith.constant 0 : i32
      %dma_wait3A_132 = arith.constant 0 : i32
      %dma_wait3A_133 = tpu.memref_slice %arg9[%scan3A_62, %dma_wait3A_131, %dma_wait3A_132] : memref<2x80x128xf32, #tpu.memory_space<vmem>> -> memref<1x80x128xf32, #tpu.memory_space<vmem>>
      %dma_wait3A_134 = tpu.memref_squeeze %dma_wait3A_133 : memref<1x80x128xf32, #tpu.memory_space<vmem>> -> memref<80x128xf32, #tpu.memory_space<vmem>>
      %dma_wait3A_135 = arith.constant 0 : i32
      %dma_wait3A_136 = arith.constant 0 : i32
      %dma_wait3A_137 = tpu.memref_slice %arg2[%dma_wait3A_135, %dma_wait3A_136] : memref<320000x128xf32, #tpu.memory_space<hbm>> -> memref<80x128xf32, #tpu.memory_space<hbm>>
      %dma_wait3A_138 = arith.constant 0 : i32
      %dma_wait3A_139 = arith.constant 0 : i32
      %dma_wait3A_140 = tpu.memref_slice %arg9[%scan3A_62, %dma_wait3A_138, %dma_wait3A_139] : memref<2x80x128xf32, #tpu.memory_space<vmem>> -> memref<1x80x128xf32, #tpu.memory_space<vmem>>
      %dma_wait3A_141 = tpu.memref_squeeze %dma_wait3A_140 : memref<1x80x128xf32, #tpu.memory_space<vmem>> -> memref<80x128xf32, #tpu.memory_space<vmem>>
      %dma_wait3A_142 = arith.constant 0 : i32
      %dma_wait3A_143 = arith.constant 0 : i32
      %dma_wait3A_144 = tpu.memref_slice %arg2[%dma_wait3A_142, %dma_wait3A_143] : memref<320000x128xf32, #tpu.memory_space<hbm>> -> memref<80x128xf32, #tpu.memory_space<hbm>>
      tpu.wait_dma2 semaphore(%arg13 : memref<!tpu.dma_semaphore, #tpu.memory_space<semaphore_mem>>) src(%dma_wait3A_144 : memref<80x128xf32, #tpu.memory_space<hbm>>) dst(%dma_wait3A_141 : memref<80x128xf32, #tpu.memory_space<vmem>>)
      %dma_start3A_145 = arith.constant 0 : i32
      %dma_start3A_146 = arith.constant 0 : i32
      %dma_start3A_147 = tpu.memref_slice %arg9[%scan3A_62, %dma_start3A_145, %dma_start3A_146] : memref<2x80x128xf32, #tpu.memory_space<vmem>> -> memref<1x80x128xf32, #tpu.memory_space<vmem>>
      %dma_start3A_148 = tpu.memref_squeeze %dma_start3A_147 : memref<1x80x128xf32, #tpu.memory_space<vmem>> -> memref<80x128xf32, #tpu.memory_space<vmem>>
      %dma_start3A_149 = arith.constant 0 : i32
      %dma_start3A_150 = tpu.memref_slice %arg8[%mul3A_130, %dma_start3A_149] : memref<125x80xi32, #tpu.memory_space<vmem>> -> memref<1x80xi32, #tpu.memory_space<vmem>>
      %dma_start3A_151 = tpu.memref_squeeze %dma_start3A_150 : memref<1x80xi32, #tpu.memory_space<vmem>> -> memref<80xi32, #tpu.memory_space<vmem>>
      %dma_start3A_152 = arith.constant 0 : i32
      %dma_start3A_153 = arith.constant 0 : i32
      %dma_start3A_154 = tpu.memref_slice %arg11[%dma_start3A_152, %dma_start3A_153] : memref<10240x128xf32, #tpu.memory_space<vmem_shared>> -> memref<10240x128xf32, #tpu.memory_space<vmem_shared>>
      tpu.enqueue_indirect_dma source(%dma_start3A_148 : memref<80x128xf32, #tpu.memory_space<vmem>>) target(%dma_start3A_154 : memref<10240x128xf32, #tpu.memory_space<vmem_shared>>) offsets(%dma_start3A_151 : memref<80xi32, #tpu.memory_space<vmem>>) semaphore(%arg15 : memref<!tpu.dma_semaphore, #tpu.memory_space<semaphore_mem>>) {add = true}
      %dma_start3A_155 = arith.constant 0 : i32
      %dma_start3A_156 = tpu.memref_slice %arg8[%mul3A_130, %dma_start3A_155] : memref<125x80xi32, #tpu.memory_space<vmem>> -> memref<1x80xi32, #tpu.memory_space<vmem>>
      %dma_start3A_157 = tpu.memref_squeeze %dma_start3A_156 : memref<1x80xi32, #tpu.memory_space<vmem>> -> memref<80xi32, #tpu.memory_space<vmem>>
      %dma_start3A_158 = arith.constant 0 : i32
      %dma_start3A_159 = tpu.memref_slice %arg12[%dma_start3A_158] : memref<10240xf32, #tpu.memory_space<vmem_shared>> -> memref<10240xf32, #tpu.memory_space<vmem_shared>>
      tpu.enqueue_indirect_dma source(%arg10 : memref<80xf32, #tpu.memory_space<vmem>>) target(%dma_start3A_159 : memref<10240xf32, #tpu.memory_space<vmem_shared>>) offsets(%dma_start3A_157 : memref<80xi32, #tpu.memory_space<vmem>>) semaphore(%arg17 : memref<!tpu.dma_semaphore, #tpu.memory_space<semaphore_mem>>) {add = true}
      %dma_wait3A_160 = arith.constant 0 : i32
      %dma_wait3A_161 = arith.constant 0 : i32
      %dma_wait3A_162 = tpu.memref_slice %arg9[%scan3A_63, %dma_wait3A_160, %dma_wait3A_161] : memref<2x80x128xf32, #tpu.memory_space<vmem>> -> memref<1x80x128xf32, #tpu.memory_space<vmem>>
      %dma_wait3A_163 = tpu.memref_squeeze %dma_wait3A_162 : memref<1x80x128xf32, #tpu.memory_space<vmem>> -> memref<80x128xf32, #tpu.memory_space<vmem>>
      %dma_wait3A_164 = arith.constant 0 : i32
      %dma_wait3A_165 = arith.constant 0 : i32
      %dma_wait3A_166 = tpu.memref_slice %arg2[%dma_wait3A_164, %dma_wait3A_165] : memref<320000x128xf32, #tpu.memory_space<hbm>> -> memref<80x128xf32, #tpu.memory_space<hbm>>
      %dma_wait3A_167 = arith.constant 0 : i32
      %dma_wait3A_168 = arith.constant 0 : i32
      %dma_wait3A_169 = tpu.memref_slice %arg9[%scan3A_63, %dma_wait3A_167, %dma_wait3A_168] : memref<2x80x128xf32, #tpu.memory_space<vmem>> -> memref<1x80x128xf32, #tpu.memory_space<vmem>>
      %dma_wait3A_170 = tpu.memref_squeeze %dma_wait3A_169 : memref<1x80x128xf32, #tpu.memory_space<vmem>> -> memref<80x128xf32, #tpu.memory_space<vmem>>
      %dma_wait3A_171 = arith.constant 0 : i32
      %dma_wait3A_172 = arith.constant 0 : i32
      %dma_wait3A_173 = tpu.memref_slice %arg2[%dma_wait3A_171, %dma_wait3A_172] : memref<320000x128xf32, #tpu.memory_space<hbm>> -> memref<80x128xf32, #tpu.memory_space<hbm>>
      tpu.wait_dma2 semaphore(%arg14 : memref<!tpu.dma_semaphore, #tpu.memory_space<semaphore_mem>>) src(%dma_wait3A_173 : memref<80x128xf32, #tpu.memory_space<hbm>>) dst(%dma_wait3A_170 : memref<80x128xf32, #tpu.memory_space<vmem>>)
      %add3A_174 = arith.constant 1 : i32
      %add3A_175 = arith.addi %mul3A_130, %add3A_174 : i32
      %dma_start3A_176 = arith.constant 0 : i32
      %dma_start3A_177 = arith.constant 0 : i32
      %dma_start3A_178 = tpu.memref_slice %arg9[%scan3A_63, %dma_start3A_176, %dma_start3A_177] : memref<2x80x128xf32, #tpu.memory_space<vmem>> -> memref<1x80x128xf32, #tpu.memory_space<vmem>>
      %dma_start3A_179 = tpu.memref_squeeze %dma_start3A_178 : memref<1x80x128xf32, #tpu.memory_space<vmem>> -> memref<80x128xf32, #tpu.memory_space<vmem>>
      %dma_start3A_180 = arith.constant 0 : i32
      %dma_start3A_181 = tpu.memref_slice %arg8[%add3A_175, %dma_start3A_180] : memref<125x80xi32, #tpu.memory_space<vmem>> -> memref<1x80xi32, #tpu.memory_space<vmem>>
      %dma_start3A_182 = tpu.memref_squeeze %dma_start3A_181 : memref<1x80xi32, #tpu.memory_space<vmem>> -> memref<80xi32, #tpu.memory_space<vmem>>
      %dma_start3A_183 = arith.constant 0 : i32
      %dma_start3A_184 = arith.constant 0 : i32
      %dma_start3A_185 = tpu.memref_slice %arg11[%dma_start3A_183, %dma_start3A_184] : memref<10240x128xf32, #tpu.memory_space<vmem_shared>> -> memref<10240x128xf32, #tpu.memory_space<vmem_shared>>
      tpu.enqueue_indirect_dma source(%dma_start3A_179 : memref<80x128xf32, #tpu.memory_space<vmem>>) target(%dma_start3A_185 : memref<10240x128xf32, #tpu.memory_space<vmem_shared>>) offsets(%dma_start3A_182 : memref<80xi32, #tpu.memory_space<vmem>>) semaphore(%arg16 : memref<!tpu.dma_semaphore, #tpu.memory_space<semaphore_mem>>) {add = true}
      %dma_start3A_186 = arith.constant 0 : i32
      %dma_start3A_187 = tpu.memref_slice %arg8[%add3A_175, %dma_start3A_186] : memref<125x80xi32, #tpu.memory_space<vmem>> -> memref<1x80xi32, #tpu.memory_space<vmem>>
      %dma_start3A_188 = tpu.memref_squeeze %dma_start3A_187 : memref<1x80xi32, #tpu.memory_space<vmem>> -> memref<80xi32, #tpu.memory_space<vmem>>
      %dma_start3A_189 = arith.constant 0 : i32
      %dma_start3A_190 = tpu.memref_slice %arg12[%dma_start3A_189] : memref<10240xf32, #tpu.memory_space<vmem_shared>> -> memref<10240xf32, #tpu.memory_space<vmem_shared>>
      tpu.enqueue_indirect_dma source(%arg10 : memref<80xf32, #tpu.memory_space<vmem>>) target(%dma_start3A_190 : memref<10240xf32, #tpu.memory_space<vmem_shared>>) offsets(%dma_start3A_188 : memref<80xi32, #tpu.memory_space<vmem>>) semaphore(%arg17 : memref<!tpu.dma_semaphore, #tpu.memory_space<semaphore_mem>>) {add = true}
      %dma_wait3A_191 = arith.constant 0 : i32
      %dma_wait3A_192 = arith.constant 0 : i32
      %dma_wait3A_193 = arith.constant 0 : i32
      %dma_wait3A_194 = tpu.memref_slice %arg9[%scan3A_62, %dma_wait3A_192, %dma_wait3A_193] : memref<2x80x128xf32, #tpu.memory_space<vmem>> -> memref<1x80x128xf32, #tpu.memory_space<vmem>>
      %dma_wait3A_195 = tpu.memref_squeeze %dma_wait3A_194 : memref<1x80x128xf32, #tpu.memory_space<vmem>> -> memref<80x128xf32, #tpu.memory_space<vmem>>
      %dma_wait3A_196 = arith.constant 0 : i32
      %dma_wait3A_197 = tpu.memref_slice %arg8[%dma_wait3A_191, %dma_wait3A_196] : memref<125x80xi32, #tpu.memory_space<vmem>> -> memref<1x80xi32, #tpu.memory_space<vmem>>
      %dma_wait3A_198 = tpu.memref_squeeze %dma_wait3A_197 : memref<1x80xi32, #tpu.memory_space<vmem>> -> memref<80xi32, #tpu.memory_space<vmem>>
      %dma_wait3A_199 = arith.constant 0 : i32
      %dma_wait3A_200 = arith.constant 0 : i32
      %dma_wait3A_201 = tpu.memref_slice %arg11[%dma_wait3A_199, %dma_wait3A_200] : memref<10240x128xf32, #tpu.memory_space<vmem_shared>> -> memref<10240x128xf32, #tpu.memory_space<vmem_shared>>
      tpu.wait_indirect_dma semaphore(%arg15 : memref<!tpu.dma_semaphore, #tpu.memory_space<semaphore_mem>>) src(%dma_wait3A_195 : memref<80x128xf32, #tpu.memory_space<vmem>>) dst(%dma_wait3A_201 : memref<10240x128xf32, #tpu.memory_space<vmem_shared>>)
      %add3A_202 = arith.constant 2 : i32
      %add3A_203 = arith.addi %mul3A_130, %add3A_202 : i32
      %mul3A_204 = arith.constant 10000 : i32
      %mul3A_205 = arith.muli %add3A, %mul3A_204 : i32
      %mul3A_206 = arith.constant 80 : i32
      %mul3A_207 = arith.muli %add3A_203, %mul3A_206 : i32
      %add3A_208 = arith.addi %mul3A_205, %mul3A_207 : i32
      %dma_start3A_209 = arith.constant 0 : i32
      %dma_start3A_210 = arith.constant 0 : i32
      %dma_start3A_211 = tpu.memref_slice %arg9[%scan3A_62, %dma_start3A_209, %dma_start3A_210] : memref<2x80x128xf32, #tpu.memory_space<vmem>> -> memref<1x80x128xf32, #tpu.memory_space<vmem>>
      %dma_start3A_212 = tpu.memref_squeeze %dma_start3A_211 : memref<1x80x128xf32, #tpu.memory_space<vmem>> -> memref<80x128xf32, #tpu.memory_space<vmem>>
      %dma_start3A_213 = arith.constant 0 : i32
      %dma_start3A_214 = tpu.memref_slice %arg2[%add3A_208, %dma_start3A_213] : memref<320000x128xf32, #tpu.memory_space<hbm>> -> memref<80x128xf32, #tpu.memory_space<hbm>>
      %dma_start3A_215 = arith.constant 0 : i32
      %dma_start3A_216 = arith.constant 0 : i32
      %dma_start3A_217 = tpu.memref_slice %arg9[%scan3A_62, %dma_start3A_215, %dma_start3A_216] : memref<2x80x128xf32, #tpu.memory_space<vmem>> -> memref<1x80x128xf32, #tpu.memory_space<vmem>>
      %dma_start3A_218 = tpu.memref_squeeze %dma_start3A_217 : memref<1x80x128xf32, #tpu.memory_space<vmem>> -> memref<80x128xf32, #tpu.memory_space<vmem>>
      %dma_start3A_219 = arith.constant 0 : i32
      %dma_start3A_220 = tpu.memref_slice %arg2[%add3A_208, %dma_start3A_219] : memref<320000x128xf32, #tpu.memory_space<hbm>> -> memref<80x128xf32, #tpu.memory_space<hbm>>
      tpu.enqueue_dma source(%dma_start3A_220 : memref<80x128xf32, #tpu.memory_space<hbm>>) target(%dma_start3A_218 : memref<80x128xf32, #tpu.memory_space<vmem>>) target_semaphore(%arg13 : memref<!tpu.dma_semaphore, #tpu.memory_space<semaphore_mem>>)
      %dma_wait3A_221 = arith.constant 0 : i32
      %dma_wait3A_222 = arith.constant 0 : i32
      %dma_wait3A_223 = arith.constant 0 : i32
      %dma_wait3A_224 = tpu.memref_slice %arg9[%scan3A_63, %dma_wait3A_222, %dma_wait3A_223] : memref<2x80x128xf32, #tpu.memory_space<vmem>> -> memref<1x80x128xf32, #tpu.memory_space<vmem>>
      %dma_wait3A_225 = tpu.memref_squeeze %dma_wait3A_224 : memref<1x80x128xf32, #tpu.memory_space<vmem>> -> memref<80x128xf32, #tpu.memory_space<vmem>>
      %dma_wait3A_226 = arith.constant 0 : i32
      %dma_wait3A_227 = tpu.memref_slice %arg8[%dma_wait3A_221, %dma_wait3A_226] : memref<125x80xi32, #tpu.memory_space<vmem>> -> memref<1x80xi32, #tpu.memory_space<vmem>>
      %dma_wait3A_228 = tpu.memref_squeeze %dma_wait3A_227 : memref<1x80xi32, #tpu.memory_space<vmem>> -> memref<80xi32, #tpu.memory_space<vmem>>
      %dma_wait3A_229 = arith.constant 0 : i32
      %dma_wait3A_230 = arith.constant 0 : i32
      %dma_wait3A_231 = tpu.memref_slice %arg11[%dma_wait3A_229, %dma_wait3A_230] : memref<10240x128xf32, #tpu.memory_space<vmem_shared>> -> memref<10240x128xf32, #tpu.memory_space<vmem_shared>>
      tpu.wait_indirect_dma semaphore(%arg16 : memref<!tpu.dma_semaphore, #tpu.memory_space<semaphore_mem>>) src(%dma_wait3A_225 : memref<80x128xf32, #tpu.memory_space<vmem>>) dst(%dma_wait3A_231 : memref<10240x128xf32, #tpu.memory_space<vmem_shared>>)
      %dma_wait3A_232 = arith.constant 0 : i32
      %dma_wait3A_233 = arith.constant 0 : i32
      %dma_wait3A_234 = tpu.memref_slice %arg8[%dma_wait3A_232, %dma_wait3A_233] : memref<125x80xi32, #tpu.memory_space<vmem>> -> memref<1x80xi32, #tpu.memory_space<vmem>>
      %dma_wait3A_235 = tpu.memref_squeeze %dma_wait3A_234 : memref<1x80xi32, #tpu.memory_space<vmem>> -> memref<80xi32, #tpu.memory_space<vmem>>
      %dma_wait3A_236 = arith.constant 0 : i32
      %dma_wait3A_237 = tpu.memref_slice %arg12[%dma_wait3A_236] : memref<10240xf32, #tpu.memory_space<vmem_shared>> -> memref<10240xf32, #tpu.memory_space<vmem_shared>>
      tpu.wait_indirect_dma semaphore(%arg17 : memref<!tpu.dma_semaphore, #tpu.memory_space<semaphore_mem>>) src(%arg10 : memref<80xf32, #tpu.memory_space<vmem>>) dst(%dma_wait3A_237 : memref<10240xf32, #tpu.memory_space<vmem_shared>>)
      %dma_wait3A_238 = arith.constant 0 : i32
      %dma_wait3A_239 = arith.constant 0 : i32
      %dma_wait3A_240 = tpu.memref_slice %arg8[%dma_wait3A_238, %dma_wait3A_239] : memref<125x80xi32, #tpu.memory_space<vmem>> -> memref<1x80xi32, #tpu.memory_space<vmem>>
      %dma_wait3A_241 = tpu.memref_squeeze %dma_wait3A_240 : memref<1x80xi32, #tpu.memory_space<vmem>> -> memref<80xi32, #tpu.memory_space<vmem>>
      %dma_wait3A_242 = arith.constant 0 : i32
      %dma_wait3A_243 = tpu.memref_slice %arg12[%dma_wait3A_242] : memref<10240xf32, #tpu.memory_space<vmem_shared>> -> memref<10240xf32, #tpu.memory_space<vmem_shared>>
      tpu.wait_indirect_dma semaphore(%arg17 : memref<!tpu.dma_semaphore, #tpu.memory_space<semaphore_mem>>) src(%arg10 : memref<80xf32, #tpu.memory_space<vmem>>) dst(%dma_wait3A_243 : memref<10240xf32, #tpu.memory_space<vmem_shared>>)
      %add3A_244 = arith.constant 3 : i32
      %add3A_245 = arith.addi %mul3A_130, %add3A_244 : i32
      %lt3A = arith.constant 125 : i32
      %lt3A_246 = arith.cmpi slt, %add3A_245, %lt3A : i32
      %convert_element_type3A = arith.extui %lt3A_246 : i1 to i32
      %cond3A = arith.constant 0 : i32
      %cond3A_247 = arith.cmpi ne, %convert_element_type3A, %cond3A : i32
      scf.if %cond3A_247 {
        %add3A_248 = arith.constant 3 : i32
        %add3A_249 = arith.addi %mul3A_130, %add3A_248 : i32
        %mul3A_250 = arith.constant 10000 : i32
        %mul3A_251 = arith.muli %add3A, %mul3A_250 : i32
        %mul3A_252 = arith.constant 80 : i32
        %mul3A_253 = arith.muli %add3A_249, %mul3A_252 : i32
        %add3A_254 = arith.addi %mul3A_251, %mul3A_253 : i32
        %dma_start3A_255 = arith.constant 0 : i32
        %dma_start3A_256 = arith.constant 0 : i32
        %dma_start3A_257 = tpu.memref_slice %arg9[%scan3A_63, %dma_start3A_255, %dma_start3A_256] : memref<2x80x128xf32, #tpu.memory_space<vmem>> -> memref<1x80x128xf32, #tpu.memory_space<vmem>>
        %dma_start3A_258 = tpu.memref_squeeze %dma_start3A_257 : memref<1x80x128xf32, #tpu.memory_space<vmem>> -> memref<80x128xf32, #tpu.memory_space<vmem>>
        %dma_start3A_259 = arith.constant 0 : i32
        %dma_start3A_260 = tpu.memref_slice %arg2[%add3A_254, %dma_start3A_259] : memref<320000x128xf32, #tpu.memory_space<hbm>> -> memref<80x128xf32, #tpu.memory_space<hbm>>
        %dma_start3A_261 = arith.constant 0 : i32
        %dma_start3A_262 = arith.constant 0 : i32
        %dma_start3A_263 = tpu.memref_slice %arg9[%scan3A_63, %dma_start3A_261, %dma_start3A_262] : memref<2x80x128xf32, #tpu.memory_space<vmem>> -> memref<1x80x128xf32, #tpu.memory_space<vmem>>
        %dma_start3A_264 = tpu.memref_squeeze %dma_start3A_263 : memref<1x80x128xf32, #tpu.memory_space<vmem>> -> memref<80x128xf32, #tpu.memory_space<vmem>>
        %dma_start3A_265 = arith.constant 0 : i32
        %dma_start3A_266 = tpu.memref_slice %arg2[%add3A_254, %dma_start3A_265] : memref<320000x128xf32, #tpu.memory_space<hbm>> -> memref<80x128xf32, #tpu.memory_space<hbm>>
        tpu.enqueue_dma source(%dma_start3A_266 : memref<80x128xf32, #tpu.memory_space<hbm>>) target(%dma_start3A_264 : memref<80x128xf32, #tpu.memory_space<vmem>>) target_semaphore(%arg14 : memref<!tpu.dma_semaphore, #tpu.memory_space<semaphore_mem>>)
      } else {
      }
    }
    %scan3A_68 = arith.constant 62 : i32
    %dma_wait3A = arith.constant 0 : i32
    %dma_wait3A_69 = arith.constant 0 : i32
    %dma_wait3A_70 = arith.constant 0 : i32
    %dma_wait3A_71 = tpu.memref_slice %arg9[%dma_wait3A, %dma_wait3A_69, %dma_wait3A_70] : memref<2x80x128xf32, #tpu.memory_space<vmem>> -> memref<1x80x128xf32, #tpu.memory_space<vmem>>
    %dma_wait3A_72 = tpu.memref_squeeze %dma_wait3A_71 : memref<1x80x128xf32, #tpu.memory_space<vmem>> -> memref<80x128xf32, #tpu.memory_space<vmem>>
    %dma_wait3A_73 = arith.constant 0 : i32
    %dma_wait3A_74 = arith.constant 0 : i32
    %dma_wait3A_75 = tpu.memref_slice %arg2[%dma_wait3A_73, %dma_wait3A_74] : memref<320000x128xf32, #tpu.memory_space<hbm>> -> memref<80x128xf32, #tpu.memory_space<hbm>>
    %dma_wait3A_76 = arith.constant 0 : i32
    %dma_wait3A_77 = arith.constant 0 : i32
    %dma_wait3A_78 = tpu.memref_slice %arg9[%dma_wait3A, %dma_wait3A_76, %dma_wait3A_77] : memref<2x80x128xf32, #tpu.memory_space<vmem>> -> memref<1x80x128xf32, #tpu.memory_space<vmem>>
    %dma_wait3A_79 = tpu.memref_squeeze %dma_wait3A_78 : memref<1x80x128xf32, #tpu.memory_space<vmem>> -> memref<80x128xf32, #tpu.memory_space<vmem>>
    %dma_wait3A_80 = arith.constant 0 : i32
    %dma_wait3A_81 = arith.constant 0 : i32
    %dma_wait3A_82 = tpu.memref_slice %arg2[%dma_wait3A_80, %dma_wait3A_81] : memref<320000x128xf32, #tpu.memory_space<hbm>> -> memref<80x128xf32, #tpu.memory_space<hbm>>
    tpu.wait_dma2 semaphore(%arg13 : memref<!tpu.dma_semaphore, #tpu.memory_space<semaphore_mem>>) src(%dma_wait3A_82 : memref<80x128xf32, #tpu.memory_space<hbm>>) dst(%dma_wait3A_79 : memref<80x128xf32, #tpu.memory_space<vmem>>)
    %dma_start3A_83 = arith.constant 0 : i32
    %dma_start3A_84 = arith.constant 124 : i32
    %dma_start3A_85 = arith.constant 0 : i32
    %dma_start3A_86 = arith.constant 0 : i32
    %dma_start3A_87 = tpu.memref_slice %arg9[%dma_start3A_83, %dma_start3A_85, %dma_start3A_86] : memref<2x80x128xf32, #tpu.memory_space<vmem>> -> memref<1x80x128xf32, #tpu.memory_space<vmem>>
    %dma_start3A_88 = tpu.memref_squeeze %dma_start3A_87 : memref<1x80x128xf32, #tpu.memory_space<vmem>> -> memref<80x128xf32, #tpu.memory_space<vmem>>
    %dma_start3A_89 = arith.constant 0 : i32
    %dma_start3A_90 = tpu.memref_slice %arg8[%dma_start3A_84, %dma_start3A_89] : memref<125x80xi32, #tpu.memory_space<vmem>> -> memref<1x80xi32, #tpu.memory_space<vmem>>
    %dma_start3A_91 = tpu.memref_squeeze %dma_start3A_90 : memref<1x80xi32, #tpu.memory_space<vmem>> -> memref<80xi32, #tpu.memory_space<vmem>>
    %dma_start3A_92 = arith.constant 0 : i32
    %dma_start3A_93 = arith.constant 0 : i32
    %dma_start3A_94 = tpu.memref_slice %arg11[%dma_start3A_92, %dma_start3A_93] : memref<10240x128xf32, #tpu.memory_space<vmem_shared>> -> memref<10240x128xf32, #tpu.memory_space<vmem_shared>>
    tpu.enqueue_indirect_dma source(%dma_start3A_88 : memref<80x128xf32, #tpu.memory_space<vmem>>) target(%dma_start3A_94 : memref<10240x128xf32, #tpu.memory_space<vmem_shared>>) offsets(%dma_start3A_91 : memref<80xi32, #tpu.memory_space<vmem>>) semaphore(%arg15 : memref<!tpu.dma_semaphore, #tpu.memory_space<semaphore_mem>>) {add = true}
    %dma_start3A_95 = arith.constant 124 : i32
    %dma_start3A_96 = arith.constant 0 : i32
    %dma_start3A_97 = tpu.memref_slice %arg8[%dma_start3A_95, %dma_start3A_96] : memref<125x80xi32, #tpu.memory_space<vmem>> -> memref<1x80xi32, #tpu.memory_space<vmem>>
    %dma_start3A_98 = tpu.memref_squeeze %dma_start3A_97 : memref<1x80xi32, #tpu.memory_space<vmem>> -> memref<80xi32, #tpu.memory_space<vmem>>
    %dma_start3A_99 = arith.constant 0 : i32
    %dma_start3A_100 = tpu.memref_slice %arg12[%dma_start3A_99] : memref<10240xf32, #tpu.memory_space<vmem_shared>> -> memref<10240xf32, #tpu.memory_space<vmem_shared>>
    tpu.enqueue_indirect_dma source(%arg10 : memref<80xf32, #tpu.memory_space<vmem>>) target(%dma_start3A_100 : memref<10240xf32, #tpu.memory_space<vmem_shared>>) offsets(%dma_start3A_98 : memref<80xi32, #tpu.memory_space<vmem>>) semaphore(%arg17 : memref<!tpu.dma_semaphore, #tpu.memory_space<semaphore_mem>>) {add = true}
    %dma_wait3A_101 = arith.constant 0 : i32
    %dma_wait3A_102 = arith.constant 0 : i32
    %dma_wait3A_103 = arith.constant 0 : i32
    %dma_wait3A_104 = arith.constant 0 : i32
    %dma_wait3A_105 = tpu.memref_slice %arg9[%dma_wait3A_101, %dma_wait3A_103, %dma_wait3A_104] : memref<2x80x128xf32, #tpu.memory_space<vmem>> -> memref<1x80x128xf32, #tpu.memory_space<vmem>>
    %dma_wait3A_106 = tpu.memref_squeeze %dma_wait3A_105 : memref<1x80x128xf32, #tpu.memory_space<vmem>> -> memref<80x128xf32, #tpu.memory_space<vmem>>
    %dma_wait3A_107 = arith.constant 0 : i32
    %dma_wait3A_108 = tpu.memref_slice %arg8[%dma_wait3A_102, %dma_wait3A_107] : memref<125x80xi32, #tpu.memory_space<vmem>> -> memref<1x80xi32, #tpu.memory_space<vmem>>
    %dma_wait3A_109 = tpu.memref_squeeze %dma_wait3A_108 : memref<1x80xi32, #tpu.memory_space<vmem>> -> memref<80xi32, #tpu.memory_space<vmem>>
    %dma_wait3A_110 = arith.constant 0 : i32
    %dma_wait3A_111 = arith.constant 0 : i32
    %dma_wait3A_112 = tpu.memref_slice %arg11[%dma_wait3A_110, %dma_wait3A_111] : memref<10240x128xf32, #tpu.memory_space<vmem_shared>> -> memref<10240x128xf32, #tpu.memory_space<vmem_shared>>
    tpu.wait_indirect_dma semaphore(%arg15 : memref<!tpu.dma_semaphore, #tpu.memory_space<semaphore_mem>>) src(%dma_wait3A_106 : memref<80x128xf32, #tpu.memory_space<vmem>>) dst(%dma_wait3A_112 : memref<10240x128xf32, #tpu.memory_space<vmem_shared>>)
    %dma_wait3A_113 = arith.constant 0 : i32
    %dma_wait3A_114 = arith.constant 0 : i32
    %dma_wait3A_115 = tpu.memref_slice %arg8[%dma_wait3A_113, %dma_wait3A_114] : memref<125x80xi32, #tpu.memory_space<vmem>> -> memref<1x80xi32, #tpu.memory_space<vmem>>
    %dma_wait3A_116 = tpu.memref_squeeze %dma_wait3A_115 : memref<1x80xi32, #tpu.memory_space<vmem>> -> memref<80xi32, #tpu.memory_space<vmem>>
    %dma_wait3A_117 = arith.constant 0 : i32
    %dma_wait3A_118 = tpu.memref_slice %arg12[%dma_wait3A_117] : memref<10240xf32, #tpu.memory_space<vmem_shared>> -> memref<10240xf32, #tpu.memory_space<vmem_shared>>
    tpu.wait_indirect_dma semaphore(%arg17 : memref<!tpu.dma_semaphore, #tpu.memory_space<semaphore_mem>>) src(%arg10 : memref<80xf32, #tpu.memory_space<vmem>>) dst(%dma_wait3A_118 : memref<10240xf32, #tpu.memory_space<vmem_shared>>)
    %barrier3A_119 = arith.constant 0 : index
    tpu.barrier barrier_id(%barrier3A_119)
    %mul3A_120 = arith.constant 640 : i32
    %mul3A_121 = arith.muli %arg1, %mul3A_120 : i32
    %mul3A_122 = arith.constant 640 : i32
    %mul3A_123 = arith.muli %arg1, %mul3A_122 : i32
    "tpu.region"() ({
      %run_scoped3A = tpu.sem_alloc : memref<!tpu.dma_semaphore, #tpu.memory_space<semaphore_mem>>
      %dma_start3A_128 = arith.constant 0 : i32
      %dma_start3A_129 = tpu.memref_slice %arg6[%arg0, %mul3A_123, %dma_start3A_128] : memref<2x10240x128xf32, #tpu.memory_space<hbm>> -> memref<1x640x128xf32, #tpu.memory_space<hbm>>
      %dma_start3A_130 = tpu.memref_squeeze %dma_start3A_129 : memref<1x640x128xf32, #tpu.memory_space<hbm>> -> memref<640x128xf32, #tpu.memory_space<hbm>>
      %dma_start3A_131 = arith.constant 0 : i32
      %dma_start3A_132 = tpu.memref_slice %arg11[%mul3A_121, %dma_start3A_131] : memref<10240x128xf32, #tpu.memory_space<vmem_shared>> -> memref<640x128xf32, #tpu.memory_space<vmem_shared>>
      tpu.enqueue_dma source(%dma_start3A_132 : memref<640x128xf32, #tpu.memory_space<vmem_shared>>) target(%dma_start3A_130 : memref<640x128xf32, #tpu.memory_space<hbm>>) target_semaphore(%run_scoped3A : memref<!tpu.dma_semaphore, #tpu.memory_space<semaphore_mem>>)
      %dma_wait3A_133 = arith.constant 0 : i32
      %dma_wait3A_134 = tpu.memref_slice %arg6[%arg0, %mul3A_123, %dma_wait3A_133] : memref<2x10240x128xf32, #tpu.memory_space<hbm>> -> memref<1x640x128xf32, #tpu.memory_space<hbm>>
      %dma_wait3A_135 = tpu.memref_squeeze %dma_wait3A_134 : memref<1x640x128xf32, #tpu.memory_space<hbm>> -> memref<640x128xf32, #tpu.memory_space<hbm>>
      %dma_wait3A_136 = arith.constant 0 : i32
      %dma_wait3A_137 = tpu.memref_slice %arg11[%mul3A_121, %dma_wait3A_136] : memref<10240x128xf32, #tpu.memory_space<vmem_shared>> -> memref<640x128xf32, #tpu.memory_space<vmem_shared>>
      tpu.wait_dma2 semaphore(%run_scoped3A : memref<!tpu.dma_semaphore, #tpu.memory_space<semaphore_mem>>) src(%dma_wait3A_137 : memref<640x128xf32, #tpu.memory_space<vmem_shared>>) dst(%dma_wait3A_135 : memref<640x128xf32, #tpu.memory_space<hbm>>)
      tpu.yield
    }) : () -> ()
    %mul3A_124 = arith.constant 640 : i32
    %mul3A_125 = arith.muli %arg1, %mul3A_124 : i32
    %mul3A_126 = arith.constant 640 : i32
    %mul3A_127 = arith.muli %arg1, %mul3A_126 : i32
    "tpu.region"() ({
      %run_scoped3A = tpu.sem_alloc : memref<!tpu.dma_semaphore, #tpu.memory_space<semaphore_mem>>
      %dma_start3A_128 = tpu.memref_slice %arg7[%arg0, %mul3A_127] : memref<2x10240xf32, #tpu.memory_space<hbm>> -> memref<1x640xf32, #tpu.memory_space<hbm>>
      %dma_start3A_129 = tpu.memref_squeeze %dma_start3A_128 : memref<1x640xf32, #tpu.memory_space<hbm>> -> memref<640xf32, #tpu.memory_space<hbm>>
      %dma_start3A_130 = tpu.memref_slice %arg12[%mul3A_125] : memref<10240xf32, #tpu.memory_space<vmem_shared>> -> memref<640xf32, #tpu.memory_space<vmem_shared>>
      tpu.enqueue_dma source(%dma_start3A_130 : memref<640xf32, #tpu.memory_space<vmem_shared>>) target(%dma_start3A_129 : memref<640xf32, #tpu.memory_space<hbm>>) target_semaphore(%run_scoped3A : memref<!tpu.dma_semaphore, #tpu.memory_space<semaphore_mem>>)
      %dma_wait3A_131 = tpu.memref_slice %arg7[%arg0, %mul3A_127] : memref<2x10240xf32, #tpu.memory_space<hbm>> -> memref<1x640xf32, #tpu.memory_space<hbm>>
      %dma_wait3A_132 = tpu.memref_squeeze %dma_wait3A_131 : memref<1x640xf32, #tpu.memory_space<hbm>> -> memref<640xf32, #tpu.memory_space<hbm>>
      %dma_wait3A_133 = tpu.memref_slice %arg12[%mul3A_125] : memref<10240xf32, #tpu.memory_space<vmem_shared>> -> memref<640xf32, #tpu.memory_space<vmem_shared>>
      tpu.wait_dma2 semaphore(%run_scoped3A : memref<!tpu.dma_semaphore, #tpu.memory_space<semaphore_mem>>) src(%dma_wait3A_133 : memref<640xf32, #tpu.memory_space<vmem_shared>>) dst(%dma_wait3A_132 : memref<640xf32, #tpu.memory_space<hbm>>)
      tpu.yield
    }) : () -> ()
    return
  }
}

#map = affine_map<(d0, d1) -> (0, 0)>
#map1 = affine_map<(d0, d1) -> (0)>
#map2 = affine_map<(d0, d1) -> (0, 0, 0)>
module attributes {stable_mosaic.version = 14 : i64} {
  func.func @_sc_spmm_body(%arg0: i32, %arg1: i32, %arg2: memref<10000x128xf32, #tpu.memory_space<hbm>>, %arg3: memref<320000xi32, #tpu.memory_space<hbm>>, %arg4: memref<32x125x80xi32, #tpu.memory_space<hbm>>, %arg5: memref<10240x128xf32, #tpu.memory_space<hbm>>, %arg6: memref<2x10240x128xf32, #tpu.memory_space<hbm>>, %arg7: memref<10000xi32, #tpu.memory_space<vmem>>, %arg8: memref<125x80xi32, #tpu.memory_space<vmem>>, %arg9: memref<2x80x128xf32, #tpu.memory_space<vmem>>, %arg10: memref<10240x128xf32, #tpu.memory_space<vmem_shared>>, %arg11: memref<!tpu.dma_semaphore, #tpu.memory_space<semaphore_mem>>, %arg12: memref<!tpu.dma_semaphore, #tpu.memory_space<semaphore_mem>>, %arg13: memref<!tpu.dma_semaphore, #tpu.memory_space<semaphore_mem>>, %arg14: memref<!tpu.dma_semaphore, #tpu.memory_space<semaphore_mem>>) attributes {dimension_semantics = [#tpu.dimension_semantics<core_parallel>, #tpu.dimension_semantics<subcore_parallel>], iteration_bounds = array<i64: 2, 16>, scalar_prefetch = 0 : i64, scratch_operands = 8 : i64, tpu.core_type = #tpu.core_type<sc_vector_subcore>, window_params = [{transform_indices = #map}, {transform_indices = #map1}, {transform_indices = #map2}, {transform_indices = #map}, {transform_indices = #map2}]} {
    %mul3A = arith.constant 16 : i32
    %mul3A_0 = arith.muli %arg0, %mul3A : i32
    %add3A = arith.addi %mul3A_0, %arg1 : i32
    %mul3A_1 = arith.constant 640 : i32
    %mul3A_2 = arith.muli %arg1, %mul3A_1 : i32
    %mul3A_3 = arith.constant 640 : i32
    %mul3A_4 = arith.muli %arg1, %mul3A_3 : i32
    "tpu.region"() ({
      %run_scoped3A = tpu.sem_alloc : memref<!tpu.dma_semaphore, #tpu.memory_space<semaphore_mem>>
      %dma_start3A_76 = arith.constant 0 : i32
      %dma_start3A_77 = tpu.memref_slice %arg10[%mul3A_4, %dma_start3A_76] : memref<10240x128xf32, #tpu.memory_space<vmem_shared>> -> memref<640x128xf32, #tpu.memory_space<vmem_shared>>
      %dma_start3A_78 = arith.constant 0 : i32
      %dma_start3A_79 = tpu.memref_slice %arg5[%mul3A_2, %dma_start3A_78] : memref<10240x128xf32, #tpu.memory_space<hbm>> -> memref<640x128xf32, #tpu.memory_space<hbm>>
      tpu.enqueue_dma source(%dma_start3A_79 : memref<640x128xf32, #tpu.memory_space<hbm>>) target(%dma_start3A_77 : memref<640x128xf32, #tpu.memory_space<vmem_shared>>) target_semaphore(%run_scoped3A : memref<!tpu.dma_semaphore, #tpu.memory_space<semaphore_mem>>)
      %dma_wait3A_80 = arith.constant 0 : i32
      %dma_wait3A_81 = tpu.memref_slice %arg10[%mul3A_4, %dma_wait3A_80] : memref<10240x128xf32, #tpu.memory_space<vmem_shared>> -> memref<640x128xf32, #tpu.memory_space<vmem_shared>>
      %dma_wait3A_82 = arith.constant 0 : i32
      %dma_wait3A_83 = tpu.memref_slice %arg5[%mul3A_2, %dma_wait3A_82] : memref<10240x128xf32, #tpu.memory_space<hbm>> -> memref<640x128xf32, #tpu.memory_space<hbm>>
      tpu.wait_dma2 semaphore(%run_scoped3A : memref<!tpu.dma_semaphore, #tpu.memory_space<semaphore_mem>>) src(%dma_wait3A_83 : memref<640x128xf32, #tpu.memory_space<hbm>>) dst(%dma_wait3A_81 : memref<640x128xf32, #tpu.memory_space<vmem_shared>>)
      tpu.yield
    }) : () -> ()
    %barrier3A = arith.constant 0 : index
    tpu.barrier barrier_id(%barrier3A)
    %mul3A_5 = arith.constant 10000 : i32
    %mul3A_6 = arith.muli %add3A, %mul3A_5 : i32
    "tpu.region"() ({
      %run_scoped3A = tpu.sem_alloc : memref<!tpu.dma_semaphore, #tpu.memory_space<semaphore_mem>>
      %dma_start3A_76 = tpu.memref_slice %arg3[%mul3A_6] : memref<320000xi32, #tpu.memory_space<hbm>> -> memref<10000xi32, #tpu.memory_space<hbm>>
      %dma_start3A_77 = tpu.memref_slice %arg3[%mul3A_6] : memref<320000xi32, #tpu.memory_space<hbm>> -> memref<10000xi32, #tpu.memory_space<hbm>>
      tpu.enqueue_dma source(%dma_start3A_77 : memref<10000xi32, #tpu.memory_space<hbm>>) target(%arg7 : memref<10000xi32, #tpu.memory_space<vmem>>) target_semaphore(%run_scoped3A : memref<!tpu.dma_semaphore, #tpu.memory_space<semaphore_mem>>)
      %dma_wait3A_78 = tpu.memref_slice %arg3[%mul3A_6] : memref<320000xi32, #tpu.memory_space<hbm>> -> memref<10000xi32, #tpu.memory_space<hbm>>
      %dma_wait3A_79 = tpu.memref_slice %arg3[%mul3A_6] : memref<320000xi32, #tpu.memory_space<hbm>> -> memref<10000xi32, #tpu.memory_space<hbm>>
      tpu.wait_dma2 semaphore(%run_scoped3A : memref<!tpu.dma_semaphore, #tpu.memory_space<semaphore_mem>>) src(%dma_wait3A_79 : memref<10000xi32, #tpu.memory_space<hbm>>) dst(%arg7 : memref<10000xi32, #tpu.memory_space<vmem>>)
      tpu.yield
    }) : () -> ()
    "tpu.region"() ({
      %run_scoped3A = tpu.sem_alloc : memref<!tpu.dma_semaphore, #tpu.memory_space<semaphore_mem>>
      %dma_start3A_76 = arith.constant 0 : i32
      %dma_start3A_77 = arith.constant 0 : i32
      %dma_start3A_78 = tpu.memref_slice %arg4[%add3A, %dma_start3A_76, %dma_start3A_77] : memref<32x125x80xi32, #tpu.memory_space<hbm>> -> memref<1x125x80xi32, #tpu.memory_space<hbm>>
      %dma_start3A_79 = tpu.memref_squeeze %dma_start3A_78 : memref<1x125x80xi32, #tpu.memory_space<hbm>> -> memref<125x80xi32, #tpu.memory_space<hbm>>
      %dma_start3A_80 = arith.constant 0 : i32
      %dma_start3A_81 = arith.constant 0 : i32
      %dma_start3A_82 = tpu.memref_slice %arg4[%add3A, %dma_start3A_80, %dma_start3A_81] : memref<32x125x80xi32, #tpu.memory_space<hbm>> -> memref<1x125x80xi32, #tpu.memory_space<hbm>>
      %dma_start3A_83 = tpu.memref_squeeze %dma_start3A_82 : memref<1x125x80xi32, #tpu.memory_space<hbm>> -> memref<125x80xi32, #tpu.memory_space<hbm>>
      tpu.enqueue_dma source(%dma_start3A_83 : memref<125x80xi32, #tpu.memory_space<hbm>>) target(%arg8 : memref<125x80xi32, #tpu.memory_space<vmem>>) target_semaphore(%run_scoped3A : memref<!tpu.dma_semaphore, #tpu.memory_space<semaphore_mem>>)
      %dma_wait3A_84 = arith.constant 0 : i32
      %dma_wait3A_85 = arith.constant 0 : i32
      %dma_wait3A_86 = tpu.memref_slice %arg4[%add3A, %dma_wait3A_84, %dma_wait3A_85] : memref<32x125x80xi32, #tpu.memory_space<hbm>> -> memref<1x125x80xi32, #tpu.memory_space<hbm>>
      %dma_wait3A_87 = tpu.memref_squeeze %dma_wait3A_86 : memref<1x125x80xi32, #tpu.memory_space<hbm>> -> memref<125x80xi32, #tpu.memory_space<hbm>>
      %dma_wait3A_88 = arith.constant 0 : i32
      %dma_wait3A_89 = arith.constant 0 : i32
      %dma_wait3A_90 = tpu.memref_slice %arg4[%add3A, %dma_wait3A_88, %dma_wait3A_89] : memref<32x125x80xi32, #tpu.memory_space<hbm>> -> memref<1x125x80xi32, #tpu.memory_space<hbm>>
      %dma_wait3A_91 = tpu.memref_squeeze %dma_wait3A_90 : memref<1x125x80xi32, #tpu.memory_space<hbm>> -> memref<125x80xi32, #tpu.memory_space<hbm>>
      tpu.wait_dma2 semaphore(%run_scoped3A : memref<!tpu.dma_semaphore, #tpu.memory_space<semaphore_mem>>) src(%dma_wait3A_91 : memref<125x80xi32, #tpu.memory_space<hbm>>) dst(%arg8 : memref<125x80xi32, #tpu.memory_space<vmem>>)
      tpu.yield
    }) : () -> ()
    %dma_start3A = arith.constant 0 : i32
    %dma_start3A_7 = arith.constant 0 : i32
    %dma_start3A_8 = arith.constant 0 : i32
    %dma_start3A_9 = tpu.memref_slice %arg9[%dma_start3A, %dma_start3A_7, %dma_start3A_8] : memref<2x80x128xf32, #tpu.memory_space<vmem>> -> memref<1x80x128xf32, #tpu.memory_space<vmem>>
    %dma_start3A_10 = tpu.memref_squeeze %dma_start3A_9 : memref<1x80x128xf32, #tpu.memory_space<vmem>> -> memref<80x128xf32, #tpu.memory_space<vmem>>
    %dma_start3A_11 = arith.constant 0 : i32
    %dma_start3A_12 = tpu.memref_slice %arg7[%dma_start3A_11] : memref<10000xi32, #tpu.memory_space<vmem>> -> memref<80xi32, #tpu.memory_space<vmem>>
    %dma_start3A_13 = arith.constant 0 : i32
    %dma_start3A_14 = arith.constant 0 : i32
    %dma_start3A_15 = tpu.memref_slice %arg2[%dma_start3A_13, %dma_start3A_14] : memref<10000x128xf32, #tpu.memory_space<hbm>> -> memref<10000x128xf32, #tpu.memory_space<hbm>>
    tpu.enqueue_indirect_dma source(%dma_start3A_15 : memref<10000x128xf32, #tpu.memory_space<hbm>>) target(%dma_start3A_10 : memref<80x128xf32, #tpu.memory_space<vmem>>) offsets(%dma_start3A_12 : memref<80xi32, #tpu.memory_space<vmem>>) semaphore(%arg11 : memref<!tpu.dma_semaphore, #tpu.memory_space<semaphore_mem>>)
    %dma_start3A_16 = arith.constant 1 : i32
    %dma_start3A_17 = arith.constant 0 : i32
    %dma_start3A_18 = arith.constant 0 : i32
    %dma_start3A_19 = tpu.memref_slice %arg9[%dma_start3A_16, %dma_start3A_17, %dma_start3A_18] : memref<2x80x128xf32, #tpu.memory_space<vmem>> -> memref<1x80x128xf32, #tpu.memory_space<vmem>>
    %dma_start3A_20 = tpu.memref_squeeze %dma_start3A_19 : memref<1x80x128xf32, #tpu.memory_space<vmem>> -> memref<80x128xf32, #tpu.memory_space<vmem>>
    %dma_start3A_21 = arith.constant 80 : i32
    %dma_start3A_22 = tpu.memref_slice %arg7[%dma_start3A_21] : memref<10000xi32, #tpu.memory_space<vmem>> -> memref<80xi32, #tpu.memory_space<vmem>>
    %dma_start3A_23 = arith.constant 0 : i32
    %dma_start3A_24 = arith.constant 0 : i32
    %dma_start3A_25 = tpu.memref_slice %arg2[%dma_start3A_23, %dma_start3A_24] : memref<10000x128xf32, #tpu.memory_space<hbm>> -> memref<10000x128xf32, #tpu.memory_space<hbm>>
    tpu.enqueue_indirect_dma source(%dma_start3A_25 : memref<10000x128xf32, #tpu.memory_space<hbm>>) target(%dma_start3A_20 : memref<80x128xf32, #tpu.memory_space<vmem>>) offsets(%dma_start3A_22 : memref<80xi32, #tpu.memory_space<vmem>>) semaphore(%arg12 : memref<!tpu.dma_semaphore, #tpu.memory_space<semaphore_mem>>)
    %scan3A = arith.constant 0 : i32
    %scan3A_26 = arith.constant 0 : i32
    %scan3A_27 = arith.constant 1 : i32
    %scan3A_28 = arith.constant 0 : i32
    %scan3A_29 = arith.constant 62 : i32
    %scan3A_30 = arith.addi %scan3A_28, %scan3A_29 : i32
    %scan3A_31 = arith.constant 1 : i32
    scf.for %scan3A_76 = %scan3A_28 to %scan3A_30 step %scan3A_31  : i32 {
      %mul3A_77 = arith.constant 2 : i32
      %mul3A_78 = arith.muli %mul3A_77, %scan3A_76 : i32
      %dma_wait3A_79 = arith.constant 0 : i32
      %dma_wait3A_80 = arith.constant 0 : i32
      %dma_wait3A_81 = tpu.memref_slice %arg9[%scan3A_26, %dma_wait3A_79, %dma_wait3A_80] : memref<2x80x128xf32, #tpu.memory_space<vmem>> -> memref<1x80x128xf32, #tpu.memory_space<vmem>>
      %dma_wait3A_82 = tpu.memref_squeeze %dma_wait3A_81 : memref<1x80x128xf32, #tpu.memory_space<vmem>> -> memref<80x128xf32, #tpu.memory_space<vmem>>
      %dma_wait3A_83 = arith.constant 0 : i32
      %dma_wait3A_84 = arith.constant 0 : i32
      %dma_wait3A_85 = tpu.memref_slice %arg2[%dma_wait3A_83, %dma_wait3A_84] : memref<10000x128xf32, #tpu.memory_space<hbm>> -> memref<80x128xf32, #tpu.memory_space<hbm>>
      %dma_wait3A_86 = arith.constant 0 : i32
      %dma_wait3A_87 = arith.constant 0 : i32
      %dma_wait3A_88 = tpu.memref_slice %arg9[%scan3A_26, %dma_wait3A_86, %dma_wait3A_87] : memref<2x80x128xf32, #tpu.memory_space<vmem>> -> memref<1x80x128xf32, #tpu.memory_space<vmem>>
      %dma_wait3A_89 = tpu.memref_squeeze %dma_wait3A_88 : memref<1x80x128xf32, #tpu.memory_space<vmem>> -> memref<80x128xf32, #tpu.memory_space<vmem>>
      %dma_wait3A_90 = arith.constant 0 : i32
      %dma_wait3A_91 = arith.constant 0 : i32
      %dma_wait3A_92 = tpu.memref_slice %arg2[%dma_wait3A_90, %dma_wait3A_91] : memref<10000x128xf32, #tpu.memory_space<hbm>> -> memref<80x128xf32, #tpu.memory_space<hbm>>
      tpu.wait_dma2 semaphore(%arg11 : memref<!tpu.dma_semaphore, #tpu.memory_space<semaphore_mem>>) src(%dma_wait3A_92 : memref<80x128xf32, #tpu.memory_space<hbm>>) dst(%dma_wait3A_89 : memref<80x128xf32, #tpu.memory_space<vmem>>)
      %dma_start3A_93 = arith.constant 0 : i32
      %dma_start3A_94 = arith.constant 0 : i32
      %dma_start3A_95 = tpu.memref_slice %arg9[%scan3A_26, %dma_start3A_93, %dma_start3A_94] : memref<2x80x128xf32, #tpu.memory_space<vmem>> -> memref<1x80x128xf32, #tpu.memory_space<vmem>>
      %dma_start3A_96 = tpu.memref_squeeze %dma_start3A_95 : memref<1x80x128xf32, #tpu.memory_space<vmem>> -> memref<80x128xf32, #tpu.memory_space<vmem>>
      %dma_start3A_97 = arith.constant 0 : i32
      %dma_start3A_98 = tpu.memref_slice %arg8[%mul3A_78, %dma_start3A_97] : memref<125x80xi32, #tpu.memory_space<vmem>> -> memref<1x80xi32, #tpu.memory_space<vmem>>
      %dma_start3A_99 = tpu.memref_squeeze %dma_start3A_98 : memref<1x80xi32, #tpu.memory_space<vmem>> -> memref<80xi32, #tpu.memory_space<vmem>>
      %dma_start3A_100 = arith.constant 0 : i32
      %dma_start3A_101 = arith.constant 0 : i32
      %dma_start3A_102 = tpu.memref_slice %arg10[%dma_start3A_100, %dma_start3A_101] : memref<10240x128xf32, #tpu.memory_space<vmem_shared>> -> memref<10240x128xf32, #tpu.memory_space<vmem_shared>>
      tpu.enqueue_indirect_dma source(%dma_start3A_96 : memref<80x128xf32, #tpu.memory_space<vmem>>) target(%dma_start3A_102 : memref<10240x128xf32, #tpu.memory_space<vmem_shared>>) offsets(%dma_start3A_99 : memref<80xi32, #tpu.memory_space<vmem>>) semaphore(%arg13 : memref<!tpu.dma_semaphore, #tpu.memory_space<semaphore_mem>>) {add = true}
      %dma_wait3A_103 = arith.constant 0 : i32
      %dma_wait3A_104 = arith.constant 0 : i32
      %dma_wait3A_105 = tpu.memref_slice %arg9[%scan3A_27, %dma_wait3A_103, %dma_wait3A_104] : memref<2x80x128xf32, #tpu.memory_space<vmem>> -> memref<1x80x128xf32, #tpu.memory_space<vmem>>
      %dma_wait3A_106 = tpu.memref_squeeze %dma_wait3A_105 : memref<1x80x128xf32, #tpu.memory_space<vmem>> -> memref<80x128xf32, #tpu.memory_space<vmem>>
      %dma_wait3A_107 = arith.constant 0 : i32
      %dma_wait3A_108 = arith.constant 0 : i32
      %dma_wait3A_109 = tpu.memref_slice %arg2[%dma_wait3A_107, %dma_wait3A_108] : memref<10000x128xf32, #tpu.memory_space<hbm>> -> memref<80x128xf32, #tpu.memory_space<hbm>>
      %dma_wait3A_110 = arith.constant 0 : i32
      %dma_wait3A_111 = arith.constant 0 : i32
      %dma_wait3A_112 = tpu.memref_slice %arg9[%scan3A_27, %dma_wait3A_110, %dma_wait3A_111] : memref<2x80x128xf32, #tpu.memory_space<vmem>> -> memref<1x80x128xf32, #tpu.memory_space<vmem>>
      %dma_wait3A_113 = tpu.memref_squeeze %dma_wait3A_112 : memref<1x80x128xf32, #tpu.memory_space<vmem>> -> memref<80x128xf32, #tpu.memory_space<vmem>>
      %dma_wait3A_114 = arith.constant 0 : i32
      %dma_wait3A_115 = arith.constant 0 : i32
      %dma_wait3A_116 = tpu.memref_slice %arg2[%dma_wait3A_114, %dma_wait3A_115] : memref<10000x128xf32, #tpu.memory_space<hbm>> -> memref<80x128xf32, #tpu.memory_space<hbm>>
      tpu.wait_dma2 semaphore(%arg12 : memref<!tpu.dma_semaphore, #tpu.memory_space<semaphore_mem>>) src(%dma_wait3A_116 : memref<80x128xf32, #tpu.memory_space<hbm>>) dst(%dma_wait3A_113 : memref<80x128xf32, #tpu.memory_space<vmem>>)
      %add3A_117 = arith.constant 1 : i32
      %add3A_118 = arith.addi %mul3A_78, %add3A_117 : i32
      %dma_start3A_119 = arith.constant 0 : i32
      %dma_start3A_120 = arith.constant 0 : i32
      %dma_start3A_121 = tpu.memref_slice %arg9[%scan3A_27, %dma_start3A_119, %dma_start3A_120] : memref<2x80x128xf32, #tpu.memory_space<vmem>> -> memref<1x80x128xf32, #tpu.memory_space<vmem>>
      %dma_start3A_122 = tpu.memref_squeeze %dma_start3A_121 : memref<1x80x128xf32, #tpu.memory_space<vmem>> -> memref<80x128xf32, #tpu.memory_space<vmem>>
      %dma_start3A_123 = arith.constant 0 : i32
      %dma_start3A_124 = tpu.memref_slice %arg8[%add3A_118, %dma_start3A_123] : memref<125x80xi32, #tpu.memory_space<vmem>> -> memref<1x80xi32, #tpu.memory_space<vmem>>
      %dma_start3A_125 = tpu.memref_squeeze %dma_start3A_124 : memref<1x80xi32, #tpu.memory_space<vmem>> -> memref<80xi32, #tpu.memory_space<vmem>>
      %dma_start3A_126 = arith.constant 0 : i32
      %dma_start3A_127 = arith.constant 0 : i32
      %dma_start3A_128 = tpu.memref_slice %arg10[%dma_start3A_126, %dma_start3A_127] : memref<10240x128xf32, #tpu.memory_space<vmem_shared>> -> memref<10240x128xf32, #tpu.memory_space<vmem_shared>>
      tpu.enqueue_indirect_dma source(%dma_start3A_122 : memref<80x128xf32, #tpu.memory_space<vmem>>) target(%dma_start3A_128 : memref<10240x128xf32, #tpu.memory_space<vmem_shared>>) offsets(%dma_start3A_125 : memref<80xi32, #tpu.memory_space<vmem>>) semaphore(%arg14 : memref<!tpu.dma_semaphore, #tpu.memory_space<semaphore_mem>>) {add = true}
      %dma_wait3A_129 = arith.constant 0 : i32
      %dma_wait3A_130 = arith.constant 0 : i32
      %dma_wait3A_131 = arith.constant 0 : i32
      %dma_wait3A_132 = tpu.memref_slice %arg9[%scan3A_26, %dma_wait3A_130, %dma_wait3A_131] : memref<2x80x128xf32, #tpu.memory_space<vmem>> -> memref<1x80x128xf32, #tpu.memory_space<vmem>>
      %dma_wait3A_133 = tpu.memref_squeeze %dma_wait3A_132 : memref<1x80x128xf32, #tpu.memory_space<vmem>> -> memref<80x128xf32, #tpu.memory_space<vmem>>
      %dma_wait3A_134 = arith.constant 0 : i32
      %dma_wait3A_135 = tpu.memref_slice %arg8[%dma_wait3A_129, %dma_wait3A_134] : memref<125x80xi32, #tpu.memory_space<vmem>> -> memref<1x80xi32, #tpu.memory_space<vmem>>
      %dma_wait3A_136 = tpu.memref_squeeze %dma_wait3A_135 : memref<1x80xi32, #tpu.memory_space<vmem>> -> memref<80xi32, #tpu.memory_space<vmem>>
      %dma_wait3A_137 = arith.constant 0 : i32
      %dma_wait3A_138 = arith.constant 0 : i32
      %dma_wait3A_139 = tpu.memref_slice %arg10[%dma_wait3A_137, %dma_wait3A_138] : memref<10240x128xf32, #tpu.memory_space<vmem_shared>> -> memref<10240x128xf32, #tpu.memory_space<vmem_shared>>
      tpu.wait_indirect_dma semaphore(%arg13 : memref<!tpu.dma_semaphore, #tpu.memory_space<semaphore_mem>>) src(%dma_wait3A_133 : memref<80x128xf32, #tpu.memory_space<vmem>>) dst(%dma_wait3A_139 : memref<10240x128xf32, #tpu.memory_space<vmem_shared>>)
      %add3A_140 = arith.constant 2 : i32
      %add3A_141 = arith.addi %mul3A_78, %add3A_140 : i32
      %mul3A_142 = arith.constant 80 : i32
      %mul3A_143 = arith.muli %add3A_141, %mul3A_142 : i32
      %dma_start3A_144 = arith.constant 0 : i32
      %dma_start3A_145 = arith.constant 0 : i32
      %dma_start3A_146 = tpu.memref_slice %arg9[%scan3A_26, %dma_start3A_144, %dma_start3A_145] : memref<2x80x128xf32, #tpu.memory_space<vmem>> -> memref<1x80x128xf32, #tpu.memory_space<vmem>>
      %dma_start3A_147 = tpu.memref_squeeze %dma_start3A_146 : memref<1x80x128xf32, #tpu.memory_space<vmem>> -> memref<80x128xf32, #tpu.memory_space<vmem>>
      %dma_start3A_148 = tpu.memref_slice %arg7[%mul3A_143] : memref<10000xi32, #tpu.memory_space<vmem>> -> memref<80xi32, #tpu.memory_space<vmem>>
      %dma_start3A_149 = arith.constant 0 : i32
      %dma_start3A_150 = arith.constant 0 : i32
      %dma_start3A_151 = tpu.memref_slice %arg2[%dma_start3A_149, %dma_start3A_150] : memref<10000x128xf32, #tpu.memory_space<hbm>> -> memref<10000x128xf32, #tpu.memory_space<hbm>>
      tpu.enqueue_indirect_dma source(%dma_start3A_151 : memref<10000x128xf32, #tpu.memory_space<hbm>>) target(%dma_start3A_147 : memref<80x128xf32, #tpu.memory_space<vmem>>) offsets(%dma_start3A_148 : memref<80xi32, #tpu.memory_space<vmem>>) semaphore(%arg11 : memref<!tpu.dma_semaphore, #tpu.memory_space<semaphore_mem>>)
      %dma_wait3A_152 = arith.constant 0 : i32
      %dma_wait3A_153 = arith.constant 0 : i32
      %dma_wait3A_154 = arith.constant 0 : i32
      %dma_wait3A_155 = tpu.memref_slice %arg9[%scan3A_27, %dma_wait3A_153, %dma_wait3A_154] : memref<2x80x128xf32, #tpu.memory_space<vmem>> -> memref<1x80x128xf32, #tpu.memory_space<vmem>>
      %dma_wait3A_156 = tpu.memref_squeeze %dma_wait3A_155 : memref<1x80x128xf32, #tpu.memory_space<vmem>> -> memref<80x128xf32, #tpu.memory_space<vmem>>
      %dma_wait3A_157 = arith.constant 0 : i32
      %dma_wait3A_158 = tpu.memref_slice %arg8[%dma_wait3A_152, %dma_wait3A_157] : memref<125x80xi32, #tpu.memory_space<vmem>> -> memref<1x80xi32, #tpu.memory_space<vmem>>
      %dma_wait3A_159 = tpu.memref_squeeze %dma_wait3A_158 : memref<1x80xi32, #tpu.memory_space<vmem>> -> memref<80xi32, #tpu.memory_space<vmem>>
      %dma_wait3A_160 = arith.constant 0 : i32
      %dma_wait3A_161 = arith.constant 0 : i32
      %dma_wait3A_162 = tpu.memref_slice %arg10[%dma_wait3A_160, %dma_wait3A_161] : memref<10240x128xf32, #tpu.memory_space<vmem_shared>> -> memref<10240x128xf32, #tpu.memory_space<vmem_shared>>
      tpu.wait_indirect_dma semaphore(%arg14 : memref<!tpu.dma_semaphore, #tpu.memory_space<semaphore_mem>>) src(%dma_wait3A_156 : memref<80x128xf32, #tpu.memory_space<vmem>>) dst(%dma_wait3A_162 : memref<10240x128xf32, #tpu.memory_space<vmem_shared>>)
      %add3A_163 = arith.constant 3 : i32
      %add3A_164 = arith.addi %mul3A_78, %add3A_163 : i32
      %lt3A = arith.constant 125 : i32
      %lt3A_165 = arith.cmpi slt, %add3A_164, %lt3A : i32
      %convert_element_type3A = arith.extui %lt3A_165 : i1 to i32
      %cond3A = arith.constant 0 : i32
      %cond3A_166 = arith.cmpi ne, %convert_element_type3A, %cond3A : i32
      scf.if %cond3A_166 {
        %add3A_167 = arith.constant 3 : i32
        %add3A_168 = arith.addi %mul3A_78, %add3A_167 : i32
        %mul3A_169 = arith.constant 80 : i32
        %mul3A_170 = arith.muli %add3A_168, %mul3A_169 : i32
        %dma_start3A_171 = arith.constant 0 : i32
        %dma_start3A_172 = arith.constant 0 : i32
        %dma_start3A_173 = tpu.memref_slice %arg9[%scan3A_27, %dma_start3A_171, %dma_start3A_172] : memref<2x80x128xf32, #tpu.memory_space<vmem>> -> memref<1x80x128xf32, #tpu.memory_space<vmem>>
        %dma_start3A_174 = tpu.memref_squeeze %dma_start3A_173 : memref<1x80x128xf32, #tpu.memory_space<vmem>> -> memref<80x128xf32, #tpu.memory_space<vmem>>
        %dma_start3A_175 = tpu.memref_slice %arg7[%mul3A_170] : memref<10000xi32, #tpu.memory_space<vmem>> -> memref<80xi32, #tpu.memory_space<vmem>>
        %dma_start3A_176 = arith.constant 0 : i32
        %dma_start3A_177 = arith.constant 0 : i32
        %dma_start3A_178 = tpu.memref_slice %arg2[%dma_start3A_176, %dma_start3A_177] : memref<10000x128xf32, #tpu.memory_space<hbm>> -> memref<10000x128xf32, #tpu.memory_space<hbm>>
        tpu.enqueue_indirect_dma source(%dma_start3A_178 : memref<10000x128xf32, #tpu.memory_space<hbm>>) target(%dma_start3A_174 : memref<80x128xf32, #tpu.memory_space<vmem>>) offsets(%dma_start3A_175 : memref<80xi32, #tpu.memory_space<vmem>>) semaphore(%arg12 : memref<!tpu.dma_semaphore, #tpu.memory_space<semaphore_mem>>)
      } else {
      }
    }
    %scan3A_32 = arith.constant 62 : i32
    %dma_wait3A = arith.constant 0 : i32
    %dma_wait3A_33 = arith.constant 0 : i32
    %dma_wait3A_34 = arith.constant 0 : i32
    %dma_wait3A_35 = tpu.memref_slice %arg9[%dma_wait3A, %dma_wait3A_33, %dma_wait3A_34] : memref<2x80x128xf32, #tpu.memory_space<vmem>> -> memref<1x80x128xf32, #tpu.memory_space<vmem>>
    %dma_wait3A_36 = tpu.memref_squeeze %dma_wait3A_35 : memref<1x80x128xf32, #tpu.memory_space<vmem>> -> memref<80x128xf32, #tpu.memory_space<vmem>>
    %dma_wait3A_37 = arith.constant 0 : i32
    %dma_wait3A_38 = arith.constant 0 : i32
    %dma_wait3A_39 = tpu.memref_slice %arg2[%dma_wait3A_37, %dma_wait3A_38] : memref<10000x128xf32, #tpu.memory_space<hbm>> -> memref<80x128xf32, #tpu.memory_space<hbm>>
    %dma_wait3A_40 = arith.constant 0 : i32
    %dma_wait3A_41 = arith.constant 0 : i32
    %dma_wait3A_42 = tpu.memref_slice %arg9[%dma_wait3A, %dma_wait3A_40, %dma_wait3A_41] : memref<2x80x128xf32, #tpu.memory_space<vmem>> -> memref<1x80x128xf32, #tpu.memory_space<vmem>>
    %dma_wait3A_43 = tpu.memref_squeeze %dma_wait3A_42 : memref<1x80x128xf32, #tpu.memory_space<vmem>> -> memref<80x128xf32, #tpu.memory_space<vmem>>
    %dma_wait3A_44 = arith.constant 0 : i32
    %dma_wait3A_45 = arith.constant 0 : i32
    %dma_wait3A_46 = tpu.memref_slice %arg2[%dma_wait3A_44, %dma_wait3A_45] : memref<10000x128xf32, #tpu.memory_space<hbm>> -> memref<80x128xf32, #tpu.memory_space<hbm>>
    tpu.wait_dma2 semaphore(%arg11 : memref<!tpu.dma_semaphore, #tpu.memory_space<semaphore_mem>>) src(%dma_wait3A_46 : memref<80x128xf32, #tpu.memory_space<hbm>>) dst(%dma_wait3A_43 : memref<80x128xf32, #tpu.memory_space<vmem>>)
    %dma_start3A_47 = arith.constant 0 : i32
    %dma_start3A_48 = arith.constant 124 : i32
    %dma_start3A_49 = arith.constant 0 : i32
    %dma_start3A_50 = arith.constant 0 : i32
    %dma_start3A_51 = tpu.memref_slice %arg9[%dma_start3A_47, %dma_start3A_49, %dma_start3A_50] : memref<2x80x128xf32, #tpu.memory_space<vmem>> -> memref<1x80x128xf32, #tpu.memory_space<vmem>>
    %dma_start3A_52 = tpu.memref_squeeze %dma_start3A_51 : memref<1x80x128xf32, #tpu.memory_space<vmem>> -> memref<80x128xf32, #tpu.memory_space<vmem>>
    %dma_start3A_53 = arith.constant 0 : i32
    %dma_start3A_54 = tpu.memref_slice %arg8[%dma_start3A_48, %dma_start3A_53] : memref<125x80xi32, #tpu.memory_space<vmem>> -> memref<1x80xi32, #tpu.memory_space<vmem>>
    %dma_start3A_55 = tpu.memref_squeeze %dma_start3A_54 : memref<1x80xi32, #tpu.memory_space<vmem>> -> memref<80xi32, #tpu.memory_space<vmem>>
    %dma_start3A_56 = arith.constant 0 : i32
    %dma_start3A_57 = arith.constant 0 : i32
    %dma_start3A_58 = tpu.memref_slice %arg10[%dma_start3A_56, %dma_start3A_57] : memref<10240x128xf32, #tpu.memory_space<vmem_shared>> -> memref<10240x128xf32, #tpu.memory_space<vmem_shared>>
    tpu.enqueue_indirect_dma source(%dma_start3A_52 : memref<80x128xf32, #tpu.memory_space<vmem>>) target(%dma_start3A_58 : memref<10240x128xf32, #tpu.memory_space<vmem_shared>>) offsets(%dma_start3A_55 : memref<80xi32, #tpu.memory_space<vmem>>) semaphore(%arg13 : memref<!tpu.dma_semaphore, #tpu.memory_space<semaphore_mem>>) {add = true}
    %dma_wait3A_59 = arith.constant 0 : i32
    %dma_wait3A_60 = arith.constant 0 : i32
    %dma_wait3A_61 = arith.constant 0 : i32
    %dma_wait3A_62 = arith.constant 0 : i32
    %dma_wait3A_63 = tpu.memref_slice %arg9[%dma_wait3A_59, %dma_wait3A_61, %dma_wait3A_62] : memref<2x80x128xf32, #tpu.memory_space<vmem>> -> memref<1x80x128xf32, #tpu.memory_space<vmem>>
    %dma_wait3A_64 = tpu.memref_squeeze %dma_wait3A_63 : memref<1x80x128xf32, #tpu.memory_space<vmem>> -> memref<80x128xf32, #tpu.memory_space<vmem>>
    %dma_wait3A_65 = arith.constant 0 : i32
    %dma_wait3A_66 = tpu.memref_slice %arg8[%dma_wait3A_60, %dma_wait3A_65] : memref<125x80xi32, #tpu.memory_space<vmem>> -> memref<1x80xi32, #tpu.memory_space<vmem>>
    %dma_wait3A_67 = tpu.memref_squeeze %dma_wait3A_66 : memref<1x80xi32, #tpu.memory_space<vmem>> -> memref<80xi32, #tpu.memory_space<vmem>>
    %dma_wait3A_68 = arith.constant 0 : i32
    %dma_wait3A_69 = arith.constant 0 : i32
    %dma_wait3A_70 = tpu.memref_slice %arg10[%dma_wait3A_68, %dma_wait3A_69] : memref<10240x128xf32, #tpu.memory_space<vmem_shared>> -> memref<10240x128xf32, #tpu.memory_space<vmem_shared>>
    tpu.wait_indirect_dma semaphore(%arg13 : memref<!tpu.dma_semaphore, #tpu.memory_space<semaphore_mem>>) src(%dma_wait3A_64 : memref<80x128xf32, #tpu.memory_space<vmem>>) dst(%dma_wait3A_70 : memref<10240x128xf32, #tpu.memory_space<vmem_shared>>)
    %barrier3A_71 = arith.constant 0 : index
    tpu.barrier barrier_id(%barrier3A_71)
    %mul3A_72 = arith.constant 640 : i32
    %mul3A_73 = arith.muli %arg1, %mul3A_72 : i32
    %mul3A_74 = arith.constant 640 : i32
    %mul3A_75 = arith.muli %arg1, %mul3A_74 : i32
    "tpu.region"() ({
      %run_scoped3A = tpu.sem_alloc : memref<!tpu.dma_semaphore, #tpu.memory_space<semaphore_mem>>
      %dma_start3A_76 = arith.constant 0 : i32
      %dma_start3A_77 = tpu.memref_slice %arg6[%arg0, %mul3A_75, %dma_start3A_76] : memref<2x10240x128xf32, #tpu.memory_space<hbm>> -> memref<1x640x128xf32, #tpu.memory_space<hbm>>
      %dma_start3A_78 = tpu.memref_squeeze %dma_start3A_77 : memref<1x640x128xf32, #tpu.memory_space<hbm>> -> memref<640x128xf32, #tpu.memory_space<hbm>>
      %dma_start3A_79 = arith.constant 0 : i32
      %dma_start3A_80 = tpu.memref_slice %arg10[%mul3A_73, %dma_start3A_79] : memref<10240x128xf32, #tpu.memory_space<vmem_shared>> -> memref<640x128xf32, #tpu.memory_space<vmem_shared>>
      tpu.enqueue_dma source(%dma_start3A_80 : memref<640x128xf32, #tpu.memory_space<vmem_shared>>) target(%dma_start3A_78 : memref<640x128xf32, #tpu.memory_space<hbm>>) target_semaphore(%run_scoped3A : memref<!tpu.dma_semaphore, #tpu.memory_space<semaphore_mem>>)
      %dma_wait3A_81 = arith.constant 0 : i32
      %dma_wait3A_82 = tpu.memref_slice %arg6[%arg0, %mul3A_75, %dma_wait3A_81] : memref<2x10240x128xf32, #tpu.memory_space<hbm>> -> memref<1x640x128xf32, #tpu.memory_space<hbm>>
      %dma_wait3A_83 = tpu.memref_squeeze %dma_wait3A_82 : memref<1x640x128xf32, #tpu.memory_space<hbm>> -> memref<640x128xf32, #tpu.memory_space<hbm>>
      %dma_wait3A_84 = arith.constant 0 : i32
      %dma_wait3A_85 = tpu.memref_slice %arg10[%mul3A_73, %dma_wait3A_84] : memref<10240x128xf32, #tpu.memory_space<vmem_shared>> -> memref<640x128xf32, #tpu.memory_space<vmem_shared>>
      tpu.wait_dma2 semaphore(%run_scoped3A : memref<!tpu.dma_semaphore, #tpu.memory_space<semaphore_mem>>) src(%dma_wait3A_85 : memref<640x128xf32, #tpu.memory_space<vmem_shared>>) dst(%dma_wait3A_83 : memref<640x128xf32, #tpu.memory_space<hbm>>)
      tpu.yield
    }) : () -> ()
    return
  }
}

module attributes {stable_mosaic.version = 14 : i64} {
  func.func @_dense_body(%arg0: i32, %arg1: memref<1000x128xf32, #tpu.memory_space<vmem>>, %arg2: memref<2x1000x128xf32, #tpu.memory_space<vmem>>, %arg3: memref<2x1000x128xf32, #tpu.memory_space<vmem>>, %arg4: memref<1000x2xf32, #tpu.memory_space<vmem>>, %arg5: memref<128x128xf32, #tpu.memory_space<vmem>>, %arg6: memref<128x128xf32, #tpu.memory_space<vmem>>, %arg7: memref<128x128xf32, #tpu.memory_space<vmem>>, %arg8: memref<1000x128xf32, #tpu.memory_space<vmem>>) attributes {dimension_semantics = [#tpu.dimension_semantics<arbitrary>], iteration_bounds = array<i64: 10>, scalar_prefetch = 0 : i64, scratch_operands = 0 : i64, tpu.core_type = #tpu.core_type<tc>, window_params = [{transform_indices = @transform_0, window_bounds = array<i64: 1000, 128>}, {transform_indices = @transform_1, window_bounds = array<i64: 2, 1000, 128>}, {transform_indices = @transform_2, window_bounds = array<i64: 2, 1000, 128>}, {transform_indices = @transform_3, window_bounds = array<i64: 1000, 2>}, {pipeline_mode = #tpu.pipeline_mode<synchronous>, transform_indices = @transform_4, window_bounds = array<i64: 128, 128>}, {pipeline_mode = #tpu.pipeline_mode<synchronous>, transform_indices = @transform_5, window_bounds = array<i64: 128, 128>}, {pipeline_mode = #tpu.pipeline_mode<synchronous>, transform_indices = @transform_6, window_bounds = array<i64: 128, 128>}, {transform_indices = @transform_7, window_bounds = array<i64: 1000, 128>}]} {
    %get3A = arith.constant 0 : index
    %get3A_0 = arith.constant 0 : index
    %get3A_1 = vector.load %arg1[%get3A, %get3A_0] : memref<1000x128xf32, #tpu.memory_space<vmem>>, vector<1000x128xf32>
    %get3A_2 = arith.constant 0 : index
    %get3A_3 = arith.constant 0 : index
    %get3A_4 = arith.constant 0 : index
    %get3A_5 = vector.load %arg2[%get3A_2, %get3A_3, %get3A_4] : memref<2x1000x128xf32, #tpu.memory_space<vmem>>, vector<1x1000x128xf32>
    %get3A_6 = vector.shape_cast %get3A_5 : vector<1x1000x128xf32> to vector<1000x128xf32>
    %get3A_7 = arith.constant 1 : index
    %get3A_8 = arith.constant 0 : index
    %get3A_9 = arith.constant 0 : index
    %get3A_10 = vector.load %arg2[%get3A_7, %get3A_8, %get3A_9] : memref<2x1000x128xf32, #tpu.memory_space<vmem>>, vector<1x1000x128xf32>
    %get3A_11 = vector.shape_cast %get3A_10 : vector<1x1000x128xf32> to vector<1000x128xf32>
    %add3A = arith.addf %get3A_6, %get3A_11 : vector<1000x128xf32>
    %get3A_12 = arith.constant 0 : index
    %get3A_13 = arith.constant 0 : index
    %get3A_14 = arith.constant 0 : index
    %get3A_15 = vector.load %arg3[%get3A_12, %get3A_13, %get3A_14] : memref<2x1000x128xf32, #tpu.memory_space<vmem>>, vector<1x1000x128xf32>
    %get3A_16 = vector.shape_cast %get3A_15 : vector<1x1000x128xf32> to vector<1000x128xf32>
    %add3A_17 = arith.addf %add3A, %get3A_16 : vector<1000x128xf32>
    %get3A_18 = arith.constant 1 : index
    %get3A_19 = arith.constant 0 : index
    %get3A_20 = arith.constant 0 : index
    %get3A_21 = vector.load %arg3[%get3A_18, %get3A_19, %get3A_20] : memref<2x1000x128xf32, #tpu.memory_space<vmem>>, vector<1x1000x128xf32>
    %get3A_22 = vector.shape_cast %get3A_21 : vector<1x1000x128xf32> to vector<1000x128xf32>
    %add3A_23 = arith.addf %add3A_17, %get3A_22 : vector<1000x128xf32>
    %get3A_24 = arith.constant 0 : index
    %get3A_25 = arith.constant 0 : index
    %get3A_26 = vector.load %arg4[%get3A_24, %get3A_25] : memref<1000x2xf32, #tpu.memory_space<vmem>>, vector<1000x2xf32>
    %slice3A = vector.extract_strided_slice %get3A_26 {offsets = [0, 0], sizes = [1000, 1], strides = [1, 1]} : vector<1000x2xf32> to vector<1000x1xf32>
    %slice3A_27 = vector.extract_strided_slice %get3A_26 {offsets = [0, 1], sizes = [1000, 1], strides = [1, 1]} : vector<1000x2xf32> to vector<1000x1xf32>
    %add3A_28 = arith.addf %slice3A, %slice3A_27 : vector<1000x1xf32>
    %get3A_29 = arith.constant 0 : index
    %get3A_30 = arith.constant 0 : index
    %get3A_31 = vector.load %arg5[%get3A_29, %get3A_30] : memref<128x128xf32, #tpu.memory_space<vmem>>, vector<128x128xf32>
    %dot_general3A = arith.constant dense<0.000000e+00> : vector<1000x128xf32>
    %dot_general3A_32 = tpu.matmul %add3A_23, %get3A_31, %dot_general3A {dimension_numbers = #tpu.dot_dimension_numbers<[1], [1], [0], [0], [0, 0, 1, 0], [], []>, transpose_lhs_hint = false} : vector<1000x128xf32>, vector<128x128xf32>, vector<1000x128xf32> -> vector<1000x128xf32>
    %max3A = arith.constant 1.000000e+00 : f32
    %max3A_33 = vector.broadcast %max3A : f32 to vector<1000x1xf32>
    %max3A_34 = arith.maximumf %add3A_28, %max3A_33 : vector<1000x1xf32>
    %div3A = vector.broadcast %max3A_34 : vector<1000x1xf32> to vector<1000x128xf32>
    %div3A_35 = arith.divf %dot_general3A_32, %div3A : vector<1000x128xf32>
    %get3A_36 = arith.constant 0 : index
    %get3A_37 = arith.constant 0 : index
    %get3A_38 = vector.load %arg6[%get3A_36, %get3A_37] : memref<128x128xf32, #tpu.memory_space<vmem>>, vector<128x128xf32>
    %dot_general3A_39 = arith.constant dense<0.000000e+00> : vector<1000x128xf32>
    %dot_general3A_40 = tpu.matmul %get3A_1, %get3A_38, %dot_general3A_39 {dimension_numbers = #tpu.dot_dimension_numbers<[1], [1], [0], [0], [0, 0, 1, 0], [], []>, transpose_lhs_hint = false} : vector<1000x128xf32>, vector<128x128xf32>, vector<1000x128xf32> -> vector<1000x128xf32>
    %get3A_41 = arith.constant 0 : index
    %get3A_42 = arith.constant 0 : index
    %get3A_43 = vector.load %arg7[%get3A_41, %get3A_42] : memref<128x128xf32, #tpu.memory_space<vmem>>, vector<128x128xf32>
    %dot_general3A_44 = arith.constant dense<0.000000e+00> : vector<1000x128xf32>
    %dot_general3A_45 = tpu.matmul %get3A_1, %get3A_43, %dot_general3A_44 {dimension_numbers = #tpu.dot_dimension_numbers<[1], [1], [0], [0], [0, 0, 1, 0], [], []>, transpose_lhs_hint = false} : vector<1000x128xf32>, vector<128x128xf32>, vector<1000x128xf32> -> vector<1000x128xf32>
    %eq3A = arith.constant 0.000000e+00 : f32
    %eq3A_46 = vector.broadcast %eq3A : f32 to vector<1000x1xf32>
    %eq3A_47 = arith.cmpf oeq, %add3A_28, %eq3A_46 : vector<1000x1xf32>
    %broadcast_in_dim3A = vector.shape_cast %eq3A_47 : vector<1000x1xi1> to vector<1000x1xi1>
    %broadcast_in_dim3A_48 = vector.broadcast %broadcast_in_dim3A : vector<1000x1xi1> to vector<1000x128xi1>
    %select_n3A = arith.select %broadcast_in_dim3A_48, %dot_general3A_45, %dot_general3A_40 : vector<1000x128xi1>, vector<1000x128xf32>
    %add3A_49 = arith.addf %div3A_35, %select_n3A : vector<1000x128xf32>
    %ge3A = arith.constant 0.000000e+00 : f32
    %ge3A_50 = vector.broadcast %ge3A : f32 to vector<1000x128xf32>
    %ge3A_51 = arith.cmpf oge, %add3A_49, %ge3A_50 : vector<1000x128xf32>
    %mul3A = arith.constant 0.229166672 : f32
    %mul3A_52 = vector.broadcast %mul3A : f32 to vector<1000x128xf32>
    %mul3A_53 = arith.mulf %mul3A_52, %add3A_49 : vector<1000x128xf32>
    %select_n3A_54 = arith.select %ge3A_51, %add3A_49, %mul3A_53 : vector<1000x128xi1>, vector<1000x128xf32>
    %swap3A = arith.constant 0 : index
    %swap3A_55 = arith.constant 0 : index
    %swap3A_56 = vector.load %arg8[%swap3A, %swap3A_55] : memref<1000x128xf32, #tpu.memory_space<vmem>>, vector<1000x128xf32>
    tpu.vector_store %arg8[%swap3A, %swap3A_55], %select_n3A_54 {strides = array<i32>} : memref<1000x128xf32, #tpu.memory_space<vmem>>, vector<1000x128xf32>,
    return
  }
  func.func @transform_0(%arg0: i32) -> (i32, i32) {
    %c0_i32 = arith.constant 0 : i32
    %c0_i32_0 = arith.constant 0 : i32
    return %arg0, %c0_i32 : i32, i32
  }
  func.func @transform_1(%arg0: i32) -> (i32, i32, i32) {
    %c0_i32 = arith.constant 0 : i32
    %c0_i32_0 = arith.constant 0 : i32
    %c0_i32_1 = arith.constant 0 : i32
    return %c0_i32, %arg0, %c0_i32_0 : i32, i32, i32
  }
  func.func @transform_2(%arg0: i32) -> (i32, i32, i32) {
    %c0_i32 = arith.constant 0 : i32
    %c0_i32_0 = arith.constant 0 : i32
    %c0_i32_1 = arith.constant 0 : i32
    return %c0_i32, %arg0, %c0_i32_0 : i32, i32, i32
  }
  func.func @transform_3(%arg0: i32) -> (i32, i32) {
    %c0_i32 = arith.constant 0 : i32
    %c0_i32_0 = arith.constant 0 : i32
    return %arg0, %c0_i32 : i32, i32
  }
  func.func @transform_4(%arg0: i32) -> (i32, i32) {
    %c0_i32 = arith.constant 0 : i32
    %c0_i32_0 = arith.constant 0 : i32
    %c0_i32_1 = arith.constant 0 : i32
    return %c0_i32, %c0_i32_0 : i32, i32
  }
  func.func @transform_5(%arg0: i32) -> (i32, i32) {
    %c0_i32 = arith.constant 0 : i32
    %c0_i32_0 = arith.constant 0 : i32
    %c0_i32_1 = arith.constant 0 : i32
    return %c0_i32, %c0_i32_0 : i32, i32
  }
  func.func @transform_6(%arg0: i32) -> (i32, i32) {
    %c0_i32 = arith.constant 0 : i32
    %c0_i32_0 = arith.constant 0 : i32
    %c0_i32_1 = arith.constant 0 : i32
    return %c0_i32, %c0_i32_0 : i32, i32
  }
  func.func @transform_7(%arg0: i32) -> (i32, i32) {
    %c0_i32 = arith.constant 0 : i32
    %c0_i32_0 = arith.constant 0 : i32
    return %arg0, %c0_i32 : i32, i32
  }
}

module attributes {stable_mosaic.version = 14 : i64} {
  func.func @_dense_body(%arg0: i32, %arg1: memref<1000x128xf32, #tpu.memory_space<vmem>>, %arg2: memref<2x1000x128xf32, #tpu.memory_space<vmem>>, %arg3: memref<2x1000x128xf32, #tpu.memory_space<vmem>>, %arg4: memref<1000x2xf32, #tpu.memory_space<vmem>>, %arg5: memref<128x128xf32, #tpu.memory_space<vmem>>, %arg6: memref<128x128xf32, #tpu.memory_space<vmem>>, %arg7: memref<128x128xf32, #tpu.memory_space<vmem>>, %arg8: memref<1000x128xf32, #tpu.memory_space<vmem>>) attributes {dimension_semantics = [#tpu.dimension_semantics<arbitrary>], iteration_bounds = array<i64: 10>, scalar_prefetch = 0 : i64, scratch_operands = 0 : i64, tpu.core_type = #tpu.core_type<tc>, window_params = [{transform_indices = @transform_0, window_bounds = array<i64: 1000, 128>}, {transform_indices = @transform_1, window_bounds = array<i64: 2, 1000, 128>}, {transform_indices = @transform_2, window_bounds = array<i64: 2, 1000, 128>}, {transform_indices = @transform_3, window_bounds = array<i64: 1000, 2>}, {pipeline_mode = #tpu.pipeline_mode<synchronous>, transform_indices = @transform_4, window_bounds = array<i64: 128, 128>}, {pipeline_mode = #tpu.pipeline_mode<synchronous>, transform_indices = @transform_5, window_bounds = array<i64: 128, 128>}, {pipeline_mode = #tpu.pipeline_mode<synchronous>, transform_indices = @transform_6, window_bounds = array<i64: 128, 128>}, {transform_indices = @transform_7, window_bounds = array<i64: 1000, 128>}]} {
    %get3A = arith.constant 0 : index
    %get3A_0 = arith.constant 0 : index
    %get3A_1 = vector.load %arg1[%get3A, %get3A_0] : memref<1000x128xf32, #tpu.memory_space<vmem>>, vector<1000x128xf32>
    %get3A_2 = arith.constant 0 : index
    %get3A_3 = arith.constant 0 : index
    %get3A_4 = arith.constant 0 : index
    %get3A_5 = vector.load %arg2[%get3A_2, %get3A_3, %get3A_4] : memref<2x1000x128xf32, #tpu.memory_space<vmem>>, vector<1x1000x128xf32>
    %get3A_6 = vector.shape_cast %get3A_5 : vector<1x1000x128xf32> to vector<1000x128xf32>
    %get3A_7 = arith.constant 1 : index
    %get3A_8 = arith.constant 0 : index
    %get3A_9 = arith.constant 0 : index
    %get3A_10 = vector.load %arg2[%get3A_7, %get3A_8, %get3A_9] : memref<2x1000x128xf32, #tpu.memory_space<vmem>>, vector<1x1000x128xf32>
    %get3A_11 = vector.shape_cast %get3A_10 : vector<1x1000x128xf32> to vector<1000x128xf32>
    %add3A = arith.addf %get3A_6, %get3A_11 : vector<1000x128xf32>
    %get3A_12 = arith.constant 0 : index
    %get3A_13 = arith.constant 0 : index
    %get3A_14 = arith.constant 0 : index
    %get3A_15 = vector.load %arg3[%get3A_12, %get3A_13, %get3A_14] : memref<2x1000x128xf32, #tpu.memory_space<vmem>>, vector<1x1000x128xf32>
    %get3A_16 = vector.shape_cast %get3A_15 : vector<1x1000x128xf32> to vector<1000x128xf32>
    %add3A_17 = arith.addf %add3A, %get3A_16 : vector<1000x128xf32>
    %get3A_18 = arith.constant 1 : index
    %get3A_19 = arith.constant 0 : index
    %get3A_20 = arith.constant 0 : index
    %get3A_21 = vector.load %arg3[%get3A_18, %get3A_19, %get3A_20] : memref<2x1000x128xf32, #tpu.memory_space<vmem>>, vector<1x1000x128xf32>
    %get3A_22 = vector.shape_cast %get3A_21 : vector<1x1000x128xf32> to vector<1000x128xf32>
    %add3A_23 = arith.addf %add3A_17, %get3A_22 : vector<1000x128xf32>
    %get3A_24 = arith.constant 0 : index
    %get3A_25 = arith.constant 0 : index
    %get3A_26 = vector.load %arg4[%get3A_24, %get3A_25] : memref<1000x2xf32, #tpu.memory_space<vmem>>, vector<1000x2xf32>
    %slice3A = vector.extract_strided_slice %get3A_26 {offsets = [0, 0], sizes = [1000, 1], strides = [1, 1]} : vector<1000x2xf32> to vector<1000x1xf32>
    %slice3A_27 = vector.extract_strided_slice %get3A_26 {offsets = [0, 1], sizes = [1000, 1], strides = [1, 1]} : vector<1000x2xf32> to vector<1000x1xf32>
    %add3A_28 = arith.addf %slice3A, %slice3A_27 : vector<1000x1xf32>
    %get3A_29 = arith.constant 0 : index
    %get3A_30 = arith.constant 0 : index
    %get3A_31 = vector.load %arg5[%get3A_29, %get3A_30] : memref<128x128xf32, #tpu.memory_space<vmem>>, vector<128x128xf32>
    %dot_general3A = arith.constant dense<0.000000e+00> : vector<1000x128xf32>
    %dot_general3A_32 = tpu.matmul %add3A_23, %get3A_31, %dot_general3A {dimension_numbers = #tpu.dot_dimension_numbers<[1], [1], [0], [0], [0, 0, 1, 0], [], []>, transpose_lhs_hint = false} : vector<1000x128xf32>, vector<128x128xf32>, vector<1000x128xf32> -> vector<1000x128xf32>
    %max3A = arith.constant 1.000000e+00 : f32
    %max3A_33 = vector.broadcast %max3A : f32 to vector<1000x1xf32>
    %max3A_34 = arith.maximumf %add3A_28, %max3A_33 : vector<1000x1xf32>
    %div3A = vector.broadcast %max3A_34 : vector<1000x1xf32> to vector<1000x128xf32>
    %div3A_35 = arith.divf %dot_general3A_32, %div3A : vector<1000x128xf32>
    %get3A_36 = arith.constant 0 : index
    %get3A_37 = arith.constant 0 : index
    %get3A_38 = vector.load %arg6[%get3A_36, %get3A_37] : memref<128x128xf32, #tpu.memory_space<vmem>>, vector<128x128xf32>
    %dot_general3A_39 = arith.constant dense<0.000000e+00> : vector<1000x128xf32>
    %dot_general3A_40 = tpu.matmul %get3A_1, %get3A_38, %dot_general3A_39 {dimension_numbers = #tpu.dot_dimension_numbers<[1], [1], [0], [0], [0, 0, 1, 0], [], []>, transpose_lhs_hint = false} : vector<1000x128xf32>, vector<128x128xf32>, vector<1000x128xf32> -> vector<1000x128xf32>
    %get3A_41 = arith.constant 0 : index
    %get3A_42 = arith.constant 0 : index
    %get3A_43 = vector.load %arg7[%get3A_41, %get3A_42] : memref<128x128xf32, #tpu.memory_space<vmem>>, vector<128x128xf32>
    %dot_general3A_44 = arith.constant dense<0.000000e+00> : vector<1000x128xf32>
    %dot_general3A_45 = tpu.matmul %get3A_1, %get3A_43, %dot_general3A_44 {dimension_numbers = #tpu.dot_dimension_numbers<[1], [1], [0], [0], [0, 0, 1, 0], [], []>, transpose_lhs_hint = false} : vector<1000x128xf32>, vector<128x128xf32>, vector<1000x128xf32> -> vector<1000x128xf32>
    %eq3A = arith.constant 0.000000e+00 : f32
    %eq3A_46 = vector.broadcast %eq3A : f32 to vector<1000x1xf32>
    %eq3A_47 = arith.cmpf oeq, %add3A_28, %eq3A_46 : vector<1000x1xf32>
    %broadcast_in_dim3A = vector.shape_cast %eq3A_47 : vector<1000x1xi1> to vector<1000x1xi1>
    %broadcast_in_dim3A_48 = vector.broadcast %broadcast_in_dim3A : vector<1000x1xi1> to vector<1000x128xi1>
    %select_n3A = arith.select %broadcast_in_dim3A_48, %dot_general3A_45, %dot_general3A_40 : vector<1000x128xi1>, vector<1000x128xf32>
    %add3A_49 = arith.addf %div3A_35, %select_n3A : vector<1000x128xf32>
    %ge3A = arith.constant 0.000000e+00 : f32
    %ge3A_50 = vector.broadcast %ge3A : f32 to vector<1000x128xf32>
    %ge3A_51 = arith.cmpf oge, %add3A_49, %ge3A_50 : vector<1000x128xf32>
    %mul3A = arith.constant 0.229166672 : f32
    %mul3A_52 = vector.broadcast %mul3A : f32 to vector<1000x128xf32>
    %mul3A_53 = arith.mulf %mul3A_52, %add3A_49 : vector<1000x128xf32>
    %select_n3A_54 = arith.select %ge3A_51, %add3A_49, %mul3A_53 : vector<1000x128xi1>, vector<1000x128xf32>
    %swap3A = arith.constant 0 : index
    %swap3A_55 = arith.constant 0 : index
    %swap3A_56 = vector.load %arg8[%swap3A, %swap3A_55] : memref<1000x128xf32, #tpu.memory_space<vmem>>, vector<1000x128xf32>
    tpu.vector_store %arg8[%swap3A, %swap3A_55], %select_n3A_54 {strides = array<i32>} : memref<1000x128xf32, #tpu.memory_space<vmem>>, vector<1000x128xf32>,
    return
  }
  func.func @transform_0(%arg0: i32) -> (i32, i32) {
    %c0_i32 = arith.constant 0 : i32
    %c0_i32_0 = arith.constant 0 : i32
    return %arg0, %c0_i32 : i32, i32
  }
  func.func @transform_1(%arg0: i32) -> (i32, i32, i32) {
    %c0_i32 = arith.constant 0 : i32
    %c0_i32_0 = arith.constant 0 : i32
    %c0_i32_1 = arith.constant 0 : i32
    return %c0_i32, %arg0, %c0_i32_0 : i32, i32, i32
  }
  func.func @transform_2(%arg0: i32) -> (i32, i32, i32) {
    %c0_i32 = arith.constant 0 : i32
    %c0_i32_0 = arith.constant 0 : i32
    %c0_i32_1 = arith.constant 0 : i32
    return %c0_i32, %arg0, %c0_i32_0 : i32, i32, i32
  }
  func.func @transform_3(%arg0: i32) -> (i32, i32) {
    %c0_i32 = arith.constant 0 : i32
    %c0_i32_0 = arith.constant 0 : i32
    return %arg0, %c0_i32 : i32, i32
  }
  func.func @transform_4(%arg0: i32) -> (i32, i32) {
    %c0_i32 = arith.constant 0 : i32
    %c0_i32_0 = arith.constant 0 : i32
    %c0_i32_1 = arith.constant 0 : i32
    return %c0_i32, %c0_i32_0 : i32, i32
  }
  func.func @transform_5(%arg0: i32) -> (i32, i32) {
    %c0_i32 = arith.constant 0 : i32
    %c0_i32_0 = arith.constant 0 : i32
    %c0_i32_1 = arith.constant 0 : i32
    return %c0_i32, %c0_i32_0 : i32, i32
  }
  func.func @transform_6(%arg0: i32) -> (i32, i32) {
    %c0_i32 = arith.constant 0 : i32
    %c0_i32_0 = arith.constant 0 : i32
    %c0_i32_1 = arith.constant 0 : i32
    return %c0_i32, %c0_i32_0 : i32, i32
  }
  func.func @transform_7(%arg0: i32) -> (i32, i32) {
    %c0_i32 = arith.constant 0 : i32
    %c0_i32_0 = arith.constant 0 : i32
    return %arg0, %c0_i32 : i32, i32
  }
}

</mosaic_0001>

<sc_bundles>
// kernel: kernel.10.cloned.1.call-start
scs
__scs_entry_jumppad:
0x0: {  	(pc) =	sbr.rel $0x88, $3  }
0x1: {  	(tag) =	ssettag $0x0;
	lr =	simm.s32 $0x1  }
0x2: {  	[smem:$0x3F98] =	sst lr;
	_ =	strace $0xD0000000  }
0x3: {  	_ = 	snop  }
0x4: {  	_ = 	snop  }
0x5: {  	_ = 	snop  }
0x6: {  	_ = 	snop  }
0x7: {  	_ = 	snop  }
__scs_overlays_trampoline_lowered:
0x8: {  	[smem:$0x3FA7] =	sst s0  }
0x9: {  	[smem:$0x3FA8] =	sst s1  }
0xa: {  	[smem:$0x3FA9] =	sst s2  }
0xb: {  	[smem:$0x3FAA] =	sst s3  }
0xc: {  	[smem:$0x3FAB] =	sst s4  }
0xd: {  	[smem:$0x3FAC] =	sst s5  }
0xe: {  	[smem:$0x3FAD] =	sst s6  }
0xf: {  	[smem:$0x3FAE] =	sst s7  }
0x10: {  	[smem:$0x3FAF] =	sst s8  }
0x11: {  	[smem:$0x3FB0] =	sst s9;
	s0 =	simm.s32 @!p0 $0x0  }
0x12: {  	s1 =	sld [smem:$0x3F96];
	s0 =	simm.s32 @p0 $0x1  }
0x13: {  	[smem:$0x3FB1] =	sst s0;
	s0 =	simm.s32 @!p1 $0x0  }
0x14: {  	s2 =	sld [smem:$0x3F95];
	s0 =	simm.s32 @p1 $0x1  }
0x15: {  	[smem:$0x3FB2] =	sst s0;
	s0 =	simm.s32 @!p2 $0x0  }
0x16: {  	s3 =	sld [smem:$0x3FDB];
	s0 =	simm.s32 @p2 $0x1  }
0x17: {  	s4 =	simm.s32 $0x1BF5;
	[smem:$0x3FB4] =	sst s0  }
0x18: {  	s0 =	sld [smem:$0x3F97];
	_ =	swait.ge [sflag:s4], $0x0  }
0x19: {  	s7 =	sld [smem:$0x3F98]  }
0x1a: {  	s8 =	sadd.s32 $0xFFFFE003, lr  }
0x1b: {  	s9 =	sadd.s32 $0xFFFFFEF7, lr;
	s5 =	simm.s32 $0xFFFFFFFF;
	p2 =	slt.u32 s8, $0xFFFFF086  }
0x1c: {  	p1 =	slt.u32 s9, $0xF7A;
	s5 =	simm.s32 @!p2 $0x0  }
0x1d: {  	s5 =	simm.s32 @p1 $0x1;
	p0 =	seq.s32 s7, s2  }
0x1e: {  	s7 =	smul.u32 @!p0 $0xF7A, s2;
	p2 =	seq.s32 @!p0 s5, $0x0  }
0x1f: {  	s9 =	smul.u32 $0xF7A, s1;
	s8 =	simm.s32 @!p0 $0x1BF5;
	p2 =	por !p2, p0  }
0x20: {  	[sflag:s8] =	ssyncset.s32 @!p0 $0xFFFFF086;
	s6 =	sadd.s32 @!p0 s3, s7;
	s7 =	simm.s32 @!p0 $0x108  }
0x21: {  	s3 =	sadd.s32 s3, s9;
	s6 =	sadd.s32 @!p0 $0x88, s6;
	s7 =	simm.s32 @p2 $0x1082  }
0x22: {  	[simem:s7], [sflag:s8] =	dma.local @!p0 [hbm:s6], $0xF7A  }
0x23: {  	s9 =	sor.u32 $0xD0000000, s2;
	s6 =	simm.s32 $0x108;
	_ =	swait.ge @!p0 [sflag:s8], $0x0  }
0x24: {  	s3 =	sadd.s32 $0x88, s3;
	s6 =	simm.s32 @!p1 $0x1082;
	[sflag:s4] =	ssyncset.s32 $0xFFFFF086  }
0x25: {  	[simem:s6], [sflag:s4] =	dma.local [hbm:s3], $0xF7A  }
0x26: {  	[smem:$0x3F98] =	sst s1;
	(tag) =	ssettag s2;
	_ =	strace s9  }
0x27: {  	s1 =	sld [smem:$0x3FA8]  }
0x28: {  	s2 =	sld [smem:$0x3FA9]  }
0x29: {  	s4 =	sld [smem:$0x3FAB]  }
0x2a: {  	p0 =	seq.s32 s5, $0x0;
	s5 =	sld [smem:$0x3FAC]  }
0x2b: {  	s6 =	sld [smem:$0x3FAD]  }
0x2c: {  	s7 =	sld [smem:$0x3FAE]  }
0x2d: {  	s3 =	simm.s32 $0x108;
	s8 =	sld [smem:$0x3FAF]  }
0x2e: {  	s3 =	simm.s32 @!p0 $0x1082;
	s9 =	sld [smem:$0x3FB0]  }
0x2f: {  	lr =	sadd.s32 s0, s3;
	s0 =	sld [smem:$0x3FA7]  }
0x30: {  	s3 =	sld [smem:$0x3FAA]  }
0x31: {  	[smem:$0x3FB3] =	sst s10  }
0x32: {  	s10 =	sld [smem:$0x3FB1];
	_ =	sdelay $0x3  }
0x33: {  	p0 =	seq.s32 s10, $0x1;
	s10 =	sld [smem:$0x3FB3];
	_ =	sdelay $0x3  }
0x34: {  	[smem:$0x3FB3] =	sst s10  }
0x35: {  	s10 =	sld [smem:$0x3FB2];
	_ =	sdelay $0x3  }
0x36: {  	p1 =	seq.s32 s10, $0x1;
	s10 =	sld [smem:$0x3FB3];
	_ =	sdelay $0x3  }
0x37: {  	[smem:$0x3FB3] =	sst s10  }
0x38: {  	s10 =	sld [smem:$0x3FB4]  }
0x39: {  	_ = 	snop;
	(pc) =	sbr.ind lr, $3  }
0x3a: {  	_ = 	snop  }
0x3b: {  	_ = 	snop  }
0x3c: {  	p2 =	seq.s32 s10, $0x1;
	s10 =	sld [smem:$0x3FB3]  }
0x3d: {  	_ =	shalt  }
0x3e: {  	_ =	shalt  }
0x3f: {  	_ =	shalt  }
0x40: {  	_ =	shalt  }
0x41: {  	_ =	shalt  }
0x42: {  	_ =	shalt  }
0x43: {  	_ =	shalt  }
0x44: {  	_ =	shalt  }
0x45: {  	_ =	shalt  }
0x46: {  	_ =	shalt  }
0x47: {  	_ =	shalt  }
0x48: {  	_ =	shalt  }
0x49: {  	_ =	shalt  }
0x4a: {  	_ =	shalt  }
0x4b: {  	_ =	shalt  }
0x4c: {  	_ =	shalt  }
0x4d: {  	_ =	shalt  }
0x4e: {  	_ =	shalt  }
0x4f: {  	_ =	shalt  }
0x50: {  	_ =	shalt  }
0x51: {  	_ =	shalt  }
0x52: {  	_ =	shalt  }
0x53: {  	_ =	shalt  }
0x54: {  	_ =	shalt  }
0x55: {  	_ =	shalt  }
0x56: {  	_ =	shalt  }
0x57: {  	_ =	shalt  }
0x58: {  	_ =	shalt  }
0x59: {  	_ =	shalt  }
0x5a: {  	_ =	shalt  }
0x5b: {  	_ =	shalt  }
0x5c: {  	_ =	shalt  }
0x5d: {  	_ =	shalt  }
0x5e: {  	_ =	shalt  }
0x5f: {  	_ =	shalt  }
0x60: {  	_ =	shalt  }
0x61: {  	_ =	shalt  }
0x62: {  	_ =	shalt  }
0x63: {  	_ =	shalt  }
0x64: {  	_ =	shalt  }
0x65: {  	_ =	shalt  }
0x66: {  	_ =	shalt  }
0x67: {  	_ =	shalt  }
0x68: {  	_ =	shalt  }
0x69: {  	_ =	shalt  }
0x6a: {  	_ =	shalt  }
0x6b: {  	_ =	shalt  }
0x6c: {  	_ =	shalt  }
0x6d: {  	_ =	shalt  }
0x6e: {  	_ =	shalt  }
0x6f: {  	_ =	shalt  }
0x70: {  	_ =	shalt  }
0x71: {  	_ =	shalt  }
0x72: {  	_ =	shalt  }
0x73: {  	_ =	shalt  }
0x74: {  	_ =	shalt  }
0x75: {  	_ =	shalt  }
0x76: {  	_ =	shalt  }
0x77: {  	_ =	shalt  }
0x78: {  	_ =	shalt  }
0x79: {  	_ =	shalt  }
0x7a: {  	_ =	shalt  }
0x7b: {  	_ =	shalt  }
0x7c: {  	_ =	shalt  }
0x7d: {  	_ =	shalt  }
0x7e: {  	_ =	shalt  }
0x7f: {  	_ =	shalt  }
0x80: {  	_ =	shalt  }
0x81: {  	_ =	shalt  }
0x82: {  	_ =	shalt  }
0x83: {  	_ =	shalt  }
0x84: {  	_ =	shalt  }
0x85: {  	_ =	shalt  }
0x86: {  	_ =	shalt  }
0x87: {  	_ =	shalt  }
.Lfunc_end0:
.L_simem_size_0:
called_computation.1_lowered:
.L_overlay_start_0:
0x88: {  	s2 =	sld [smem:$0x3FD9]  }
0x89: {  	s3 =	sld [smem:$0x3FFE];
	_ =	sdelay $0x1  }
0x8a: {  	s1 =	srdreg.scid  }
0x8b: {  	s0 =	sand.u32 $0x1, s1  }
0x8c: {  	s17 =	sshll.u32 s0, $0xA;
	s2 =	sadd.s32 s3, s2  }
0x8d: {  	s2 =	sadd.s32 s2, s17  }
0x8e: {  	[smem:$0x3FBF] =	sst s2  }
0x8f: {  	_ = 	snop  }
0x90: {  	s18 =	sld [smem:$0x3FC9];
	(tm) =	ssettm $0x1  }
0x91: {  	s19 =	sld [smem:$0x3FFB];
	_ =	sdelay $0x3  }
0x92: {  	_ =	strace s19  }
0x93: {  	s2 =	sld [smem:$0x3FFC];
	_ =	sdelay $0x3  }
0x94: {  	_ =	strace s2  }
0x95: {  	s2 =	sld [smem:$0x3FFD];
	_ =	sdelay $0x3  }
0x96: {  	_ =	strace s2  }
0x97: {  	_ =	strace $0x8FFFFFFF  }
0x98: {  	s20 =	sld [smem:$0x3FDB];
	_ =	sdelay $0x1  }
0x99: {  	s4 =	simm.s32 $_scs_section_size  }
0x9a: {  	s5 =	simm.s32 $_size__tile_overlayer_lowered;
	s6 =	simm.s32 $_tile_overlayer_lowered  }
0x9b: {  	s7 =	simm.s32 $0x1BFF;
	s21 =	sshll.u32 s6, $0x1;
	s4 =	sadd.s32 s4, s20  }
0x9c: {  	s22 =	simm.s32 $0x0;
	s5 =	sshll.u32 s5, $0x1;
	s6 =	sadd.s32 s21, s4  }
0x9d: {  	[timem:s22], [sflag:s7] =	dma.local [hbm:s6], s5  }
0x9e: {  	_ =	swait.ge [sflag:s7], s5  }
0x9f: {  	s5 =	ssub.s32 $0x0, s5;
	[sflag:s7] =	ssyncset.done $0x0  }
0xa0: {  	[sflag:s7] =	ssyncadd.s32 s5;
	_ =	sdelay $0x1  }
0xa1: {  	s23 =	simm.s32 $0x1B8B  }
0xa2: {  	_ =	swait.ge [sflag:s23], $0x1  }
0xa3: {  	[sflag:s23] =	ssyncset.done $0x0  }
0xa4: {  	[sflag:s23] =	ssyncadd.s32 $0xFFFFFFFF  }
0xa5: {  	s5 =	sld [smem:$0x0]  }
0xa6: {  	s6 =	sand.u32 $0xFFFFFFFE, s1  }
0xa7: {  	p0 =	sne.s32 s1, s6  }
0xa8: {  	s6 =	sshll.u32 @p0 s6, $0xE  }
0xa9: {  	s6 =	sadd.s32 @p0 $0x11B8D, s6;
	s7 =	sshll.u32 @p0 s5, $0x11  }
0xaa: {  	s6 =	sor.u32 @p0 s7, s6  }
0xab: {  	[sflag:s6] =	ssyncadd.remote.s32 @p0 $0x1;
	_ =	sdelay $0x1  }
0xac: {  	s6 =	simm.s32 @p0 $0x1B8D  }
0xad: {  	_ =	swait.eq @p0 [sflag:s6], $0x1  }
0xae: {  	[sflag:s6] =	ssyncadd.s32 @p0 $0xFFFFFFFF  }
0xaf: {  	s7 =	sshll.u32 @!p0 s1, $0xE  }
0xb0: {  	s7 =	sor.u32 @!p0 $0x4000, s7;
	s6 =	simm.s32 @!p0 $0x1B8D  }
0xb1: {  	s5 =	sshll.u32 @!p0 s5, $0x11;
	s7 =	sadd.s32 @!p0 $0x11B8D, s7;
	_ =	swait.eq @!p0 [sflag:s6], $0x1  }
0xb2: {  	s5 =	sor.u32 @!p0 s5, s7;
	[sflag:s6] =	ssyncadd.s32 @!p0 $0xFFFFFFFF  }
0xb3: {  	s25 =	simm.s32 $0x1B8E;
	s24 =	sld [smem:$0x3FFE];
	[sflag:s5] =	ssyncadd.remote.s32 @!p0 $0x1  }
0xb4: {  	s26 =	simm.s32 $execute0_lowered;
	[smem:$0x3FD2] =	sst s25  }
0xb5: {  	s6 =	sshll.u32 s26, $0x1;
	_ =	strace $0x80000049;
	[dreg:$0x1] =	wrdreg $0xFFFFFFFF  }
0xb6: {  	s28 =	simm.s32 $_size_execute0_lowered;
	s4 =	sadd.s32 s4, s6;
	[dreg:$0x0] =	wrdreg $0x0  }
0xb7: {  	s6 =	sshll.u32 s28, $0x1;
	[dreg:$0x2] =	wrdreg s4  }
0xb8: {  	[dreg:$0x3] =	wrdreg s6  }
0xb9: {  	[dreg:$0x4] =	wrdreg $0xC0  }
0xba: {  	_ =	task [dreg:s22], $0x5FFFF  }
0xbb: {  	[dreg:$0x1] =	wrdreg $0xFFFFFFFF  }
0xbc: {  	[dreg:$0x0] =	wrdreg $0x60  }
0xbd: {  	[dreg:$0x2] =	wrdreg s18  }
0xbe: {  	[dreg:$0x3] =	wrdreg s24  }
0xbf: {  	[dreg:$0x4] =	wrdreg $0xB7800  }
0xc0: {  	[dreg:$0x5] =	wrdreg $0xA  }
0xc1: {  	_ =	task.clear_ibuf [dreg:s22], $0x6FFFF;
	_ =	strace $0x90000049  }
0xc2: {  	s29 =	simm.s32 $0xA;
	_ =	strace $0x8000004B  }
0xc3: {  	_ =	swait.ge [sflag:s29], $0x1  }
0xc4: {  	[sflag:s29] =	ssyncadd.s32 $0xFFFFFFFF  }
0xc5: {  	_ =	strace $0x9000004B  }
0xc6: {  	_ =	sfence  }
0xc7: {  	s30 =	sld [smem:$0x0];
	_ =	sdelay $0x2  }
0xc8: {  	s31 =	sshll.u32 s1, $0xD;
	s1 =	sshrl.u32 s1, $0x2  }
0xc9: {  	s4 =	sand.u32 $0x4000, s31;
	s1 =	sadd.s32 s1, s30  }
0xca: {  	s0 =	sor.u32 s4, s0;
	s1 =	sshll.u32 s1, $0x11  }
0xcb: {  	s0 =	sor.u32 s1, s0  }
0xcc: {  	s0 =	sadd.s32 $0x8F2B, s0  }
0xcd: {  	[sflag:s0] =	ssyncadd.remote.s32 $0x1  }
0xce: {  	_ =	sfence.sel $0xFFFF  }
0xcf: {  	[dreg:$0x0] =	wrdreg $0xFFFFFFFF;
	(pc) =	sbr.abs _section_cstart, $3  }
0xd0: {  	[dreg:$0x1] =	wrdreg $0xFFFFFFFF  }
0xd1: {  	_ =	task.clear_ibuf [dreg:s22], $0x2FFFF;
	_ =	strace $0x9FFFFFFF  }
0xd2: {  	(tm) =	ssettm $0x7FFFFFFF  }
0xd3: {  	_ =	shalt  }
tec
execute0_lowered:
.L_overlay_start_1:
0x0: {  	(tag) =	ssettag $0x1  }
0x1: {  	s1 =	rddreg [dreg:$0x0]  }
0x2: {  	s0 =	srdreg.scid;
	s6 =	rddreg [dreg:$0x1]  }
0x3: {  	s3 =	rddreg [dreg:$0x2];
	s4 =	simm.s32 $0x0;
	s14 =	simm.s32 $0x50  }
0x4: {  	s15 =	simm.s32 $0x6780;
	s16 =	simm.s32 $0x8F80;
	s17 =	simm.s32 $0x1  }
0x5: {  	s18 =	simm.s32 $0x2;
	s19 =	simm.s32 $0x3;
	s20 =	simm.s32 $0x4  }
0x6: {  	s21 =	simm.s32 $0x6480;
	s5 =	sand.u32 $0x1, s0;
	s0 =	stileid.u32  }
0x7: {  	s22 =	simm.s32 $0x6500;
	s23 =	simm.s32 $0x26C0;
	s9 =	smul.u32 $0x14000, s0  }
0x8: {  	s24 =	simm.s32 $0x6580;
	s25 =	simm.s32 $0x0;
	s10 =	smul.u32 $0x140000, s5  }
0x9: {  	[smem:$0x7FF] =	sst s4;
	s2 =	sshll.u32 s5, $0x4;
	s29 =	smul.u32 $0x50000, s0  }
0xa: {  	s5 =	ssub.s32 $0x2, s5;
	s31 =	sshll.u32 s0, $0x6;
	s7 =	sor.u32 s0, s2  }
0xb: {  	s2 =	rddreg [dreg:$0x3];
	_ =	strace $0x8000004A;
	s30 =	sshrl.u32 s5, $0x1  }
0xc: {  	s8 =	smul.u32 $0x4E2, s7;
	s7 =	sshll.u32 s7, $0xB;
	s28 =	sshrl.u32 s9, $0x3  }
0xd: {  	s9 =	sadd.s32 s9, s10;
	s10 =	sshrl.u32 s29, $0x2;
	s12 =	ssub.s32 s5, s30  }
0xe: {  	s11 =	sadd.s32 s7, s6;
	s7 =	sadd.s32 s28, s6;
	s9 =	sshrl.u32 s9, $0x3  }
0xf: {  	s13 =	sadd.s32 s10, s3;
	s10 =	smax.u32 s12, $0x1;
	s12 =	simm.s32 $0x5  }
0x10: {  	s8 =	sadd.s32 s8, s6;
	s9 =	sadd.s32 s9, s6;
	s5 =	sadd.s32 $0x1C000, s7  }
0x11: {  	s6 =	sor.u32 $0x1C05, s31;
	s7 =	sadd.s32 $0x2200, s8;
	s8 =	sadd.s32 $0xC000, s11  }
0x12: {  	s9 =	sadd.s32 $0x94600, s9;
	s11 =	sshrl.u32 s13, $0x3;
	s13 =	simm.s32 $0x2780  }
.LBB2_1:
0x13: {  	[spmem:s11], [sflag:s6] =	dma.local [hbm:s5], $0x2800  }
0x14: {  	_ =	swait.ge [sflag:s12], $0x2800  }
0x15: {  	[sflag:s12] =	ssyncset.done $0x0  }
0x16: {  	[sflag:s12] =	ssyncadd.s32 $0xFFFFD800  }
0x17: {  	[bflag:$0x0] =	sbarrier.arrive $0xFFFF  }
0x18: {  	[tilespmem:s4], [sflag:$0x5] =	stream.linear.gather [hbm4b:s7+s4], $0x2710, $0x38;
	[tilespmem:$0x1F780] =	vst v63  }
0x19: {  	_ =	swait.ge [sflag:s12], $0x2710  }
0x1a: {  	[sflag:s12] =	ssyncset.done $0x0  }
0x1b: {  	[sflag:s12] =	ssyncadd.s32 $0xFFFFD8F0  }
0x1c: {  	[tilespmem:s13], [sflag:$0x5] =	stream.linear.gather [hbm4b:s8+s4], $0x3E80, $0x38;
	[tilespmem:$0x1F780] =	vst v63  }
0x1d: {  	_ =	swait.ge [sflag:s12], $0x3E80  }
0x1e: {  	[sflag:s12] =	ssyncset.done $0x0  }
0x1f: {  	[sflag:s12] =	ssyncadd.s32 $0xFFFFC180  }
0x20: {  	[tilespmem:s15], [sflag:$0x1] =	stream.indirect.gather [hbm4b:s1+s14], $0x80, s4, s14, $0xb8;
	[tilespmem:$0x1F780] =	vst v63  }
0x21: {  	_ = 	snop  }
0x22: {  	[tilespmem:s16], [sflag:$0x2] =	stream.indirect.gather [hbm4b:s1+s14], $0x80, s14, s14, $0xb8;
	[tilespmem:$0x1F780] =	vst v63  }
0x23: {  	_ =	swait.ge [sflag:s17], $0x2800  }
0x24: {  	[sflag:s17] =	ssyncset.done $0x0  }
0x25: {  	s26 =	simm.s32 $0x2780;
	[sflag:s17] =	ssyncadd.s32 $0xFFFFD800  }
0x26: {  	[spmem:s3] =	stream.indirect.scatter.add.f32 [tilespmem:s15], [sflag:$0x3], $0x80, s26, s14, $0xb8;
	[tilespmem:$0x1F780] =	vst v63  }
0x27: {  	_ =	swait.ge [sflag:s18], $0x2800  }
0x28: {  	[sflag:s18] =	ssyncset.done $0x0  }
0x29: {  	s30 =	simm.s32 $0x2800;
	[sflag:s18] =	ssyncadd.s32 $0xFFFFD800  }
0x2a: {  	[spmem:s3] =	stream.indirect.scatter.add.f32 [tilespmem:s16], [sflag:$0x4], $0x80, s30, s14, $0xb8;
	[tilespmem:$0x1F780] =	vst v63  }
0x2b: {  	_ =	swait.ge [sflag:s19], $0x2800  }
0x2c: {  	[sflag:s19] =	ssyncset.done $0x0  }
0x2d: {  	s31 =	simm.s32 $0xA0;
	[sflag:s19] =	ssyncadd.s32 $0xFFFFD800  }
0x2e: {  	[tilespmem:s15], [sflag:$0x1] =	stream.indirect.gather [hbm4b:s1+s14], $0x80, s31, s14, $0xb8;
	[tilespmem:$0x1F780] =	vst v63  }
0x2f: {  	_ =	swait.ge [sflag:s20], $0x2800  }
0x30: {  	s28 =	simm.s32 $0x400;
	[sflag:s20] =	ssyncset.done $0x0  }
0x31: {  	s29 =	simm.s32 $0x190;
	s26 =	simm.s32 $0xF0;
	[sflag:s20] =	ssyncadd.s32 $0xFFFFD800  }
.LBB2_2:
0x32: {  	[tilespmem:s16], [sflag:$0x2] =	stream.indirect.gather [hbm4b:s1+s14], $0x80, s26, s14, $0xb8;
	[tilespmem:$0x1F780] =	vst v63  }
0x33: {  	s30 =	smov.u32 s28;
	s26 =	smov.u32 s29  }
0x34: {  	p0 =	sne.s32 s28, $0xF000;
	s28 =	sadd.s32 $0x400, s28;
	_ =	swait.ge [sflag:s17], $0x2800  }
0x35: {  	s30 =	sshra.s32 s30, $0x2;
	[sflag:s17] =	ssyncset.done $0x0  }
0x36: {  	s31 =	sadd.s32 $0x2780, s30;
	[sflag:s17] =	ssyncadd.s32 $0xFFFFD800  }
0x37: {  	[spmem:s3] =	stream.indirect.scatter.add.f32 [tilespmem:s15], [sflag:$0x3], $0x80, s31, s14, $0xb8;
	[tilespmem:$0x1F780] =	vst v63  }
0x38: {  	_ =	swait.ge [sflag:s18], $0x2800  }
0x39: {  	[sflag:s18] =	ssyncset.done $0x0  }
0x3a: {  	s30 =	sadd.s32 $0x2800, s30;
	[sflag:s18] =	ssyncadd.s32 $0xFFFFD800  }
0x3b: {  	[spmem:s3] =	stream.indirect.scatter.add.f32 [tilespmem:s16], [sflag:$0x4], $0x80, s30, s14, $0xb8;
	[tilespmem:$0x1F780] =	vst v63  }
0x3c: {  	_ =	swait.ge [sflag:s19], $0x2800  }
0x3d: {  	[sflag:s19] =	ssyncset.done $0x0  }
.Ltmp0:
0x3e: {  	s30 =	sadd.s32 $0xFFFFFFB0, s29;
	[sflag:s19] =	ssyncadd.s32 $0xFFFFD800;
	(pc) =	sbr.rel @p0 .LBB2_2-.Ltmp0, $4  }
0x3f: {  	[tilespmem:s15], [sflag:$0x1] =	stream.indirect.gather [hbm4b:s1+s14], $0x80, s30, s14, $0xb8;
	[tilespmem:$0x1F780] =	vst v63  }
0x40: {  	_ =	swait.ge [sflag:s20], $0x2800  }
0x41: {  	[sflag:s20] =	ssyncset.done $0x0  }
0x42: {  	s29 =	sadd.s32 $0xA0, s29;
	[sflag:s20] =	ssyncadd.s32 $0xFFFFD800  }
0x43: {  	[tilespmem:s16], [sflag:$0x2] =	stream.indirect.gather [hbm4b:s1+s14], $0x80, s26, s14, $0xb8;
	[tilespmem:$0x1F780] =	vst v63  }
0x44: {  	_ =	swait.ge [sflag:s17], $0x2800  }
0x45: {  	[sflag:s17] =	ssyncset.done $0x0  }
0x46: {  	[sflag:s17] =	ssyncadd.s32 $0xFFFFD800  }
0x47: {  	[spmem:s3] =	stream.indirect.scatter.add.f32 [tilespmem:s15], [sflag:$0x3], $0x80, s21, s14, $0xb8;
	[tilespmem:$0x1F780] =	vst v63  }
0x48: {  	_ =	swait.ge [sflag:s18], $0x2800  }
0x49: {  	[sflag:s18] =	ssyncset.done $0x0  }
0x4a: {  	[sflag:s18] =	ssyncadd.s32 $0xFFFFD800  }
0x4b: {  	[spmem:s3] =	stream.indirect.scatter.add.f32 [tilespmem:s16], [sflag:$0x4], $0x80, s22, s14, $0xb8;
	[tilespmem:$0x1F780] =	vst v63  }
0x4c: {  	_ =	swait.ge [sflag:s19], $0x2800  }
0x4d: {  	[sflag:s19] =	ssyncset.done $0x0  }
0x4e: {  	[sflag:s19] =	ssyncadd.s32 $0xFFFFD800  }
0x4f: {  	[tilespmem:s15], [sflag:$0x1] =	stream.indirect.gather [hbm4b:s1+s14], $0x80, s23, s14, $0xb8;
	[tilespmem:$0x1F780] =	vst v63  }
0x50: {  	_ =	swait.ge [sflag:s20], $0x2800  }
0x51: {  	[sflag:s20] =	ssyncset.done $0x0  }
0x52: {  	[sflag:s20] =	ssyncadd.s32 $0xFFFFD800  }
0x53: {  	_ =	swait.ge [sflag:s17], $0x2800  }
0x54: {  	[sflag:s17] =	ssyncset.done $0x0  }
0x55: {  	[sflag:s17] =	ssyncadd.s32 $0xFFFFD800  }
0x56: {  	[spmem:s3] =	stream.indirect.scatter.add.f32 [tilespmem:s15], [sflag:$0x3], $0x80, s24, s14, $0xb8;
	[tilespmem:$0x1F780] =	vst v63  }
0x57: {  	_ =	swait.ge [sflag:s19], $0x2800  }
0x58: {  	s25 =	sadd.s32 $0x1, s25;
	[sflag:s19] =	ssyncset.done $0x0  }
0x59: {  	p0 =	sne.s32 s25, s10;
	[sflag:s19] =	ssyncadd.s32 $0xFFFFD800  }
.Ltmp1:
0x5a: {  	[bflag:$0x0] =	sbarrier.arrive $0xFFFF;
	(pc) =	sbr.rel @p0 .LBB2_1-.Ltmp1, $4  }
0x5b: {  	[hbm:s9], [sflag:s6] =	dma.local [spmem:s11], $0x2800  }
0x5c: {  	_ =	swait.ge [sflag:s12], $0x2800  }
0x5d: {  	[sflag:s12] =	ssyncset.done $0x0  }
0x5e: {  	[sflag:s12] =	ssyncadd.s32 $0xFFFFD800  }
0x5f: {  	_ =	sfence.sel $0x180000  }
0x60: {  	[bflag:$0x0] =	sbarrier.arrive $0xFFFF  }
0x61: {  	p0 =	sne.s32 s0, $0x0;
	_ =	strace $0x9000004A  }
0x62: {  	s0 =	sadd.s32 @!p0 $0x100000, s2;
	[bflag:$0x2] =	sbarrier.arrive $0xFFFF  }
0x63: {  	[sflag:s0] =	ssyncadd.tile.s32 @!p0 $0x1;
	_ =	shalt  }
.Lfunc_end2:
_tile_overlayer_lowered:
.L_overlay_start_2:
0x64: {  	(tag) =	ssettag $0x2  }
0x65: {  	s0 =	rddreg [dreg:$0x0];
	s2 =	stileid.u32  }
0x66: {  	s1 =	rddreg [dreg:$0x1];
	p0 =	sne.s32 s2, $0x0  }
0x67: {  	s3 =	rddreg [dreg:$0x2];
	[bflag:$0x3] =	sbarrier.arrive $0xFFFF;
	s2 =	simm.s32 @!p0 $0x1C05  }
0x68: {  	[timem:s3], [sflag:s2] =	dma.local @!p0 [hbm:s0], s1  }
0x69: {  	s0 =	simm.s32 @!p0 $0x5  }
0x6a: {  	_ =	swait.ge @!p0 [sflag:s0], s1  }
0x6b: {  	s1 =	ssub.s32 @!p0 $0x0, s1;
	[sflag:s0] =	ssyncset.done @!p0 $0x0  }
0x6c: {  	[sflag:s0] =	ssyncadd.s32 @!p0 s1  }
0x6d: {  	[bflag:$0x3] =	sbarrier.arrive $0xFFFF  }
0x6e: {  	_ =	shalt  }

// kernel: kernel.13.cloned.1.call-start
scs
__scs_entry_jumppad:
0x0: {  	(pc) =	sbr.rel $0x88, $3  }
0x1: {  	(tag) =	ssettag $0x0;
	lr =	simm.s32 $0x1  }
0x2: {  	[smem:$0x3F98] =	sst lr;
	_ =	strace $0xD0000000  }
0x3: {  	_ = 	snop  }
0x4: {  	_ = 	snop  }
0x5: {  	_ = 	snop  }
0x6: {  	_ = 	snop  }
0x7: {  	_ = 	snop  }
__scs_overlays_trampoline_lowered:
0x8: {  	[smem:$0x3FA7] =	sst s0  }
0x9: {  	[smem:$0x3FA8] =	sst s1  }
0xa: {  	[smem:$0x3FA9] =	sst s2  }
0xb: {  	[smem:$0x3FAA] =	sst s3  }
0xc: {  	[smem:$0x3FAB] =	sst s4  }
0xd: {  	[smem:$0x3FAC] =	sst s5  }
0xe: {  	[smem:$0x3FAD] =	sst s6  }
0xf: {  	[smem:$0x3FAE] =	sst s7  }
0x10: {  	[smem:$0x3FAF] =	sst s8  }
0x11: {  	[smem:$0x3FB0] =	sst s9;
	s0 =	simm.s32 @!p0 $0x0  }
0x12: {  	s1 =	sld [smem:$0x3F96];
	s0 =	simm.s32 @p0 $0x1  }
0x13: {  	[smem:$0x3FB1] =	sst s0;
	s0 =	simm.s32 @!p1 $0x0  }
0x14: {  	s2 =	sld [smem:$0x3F95];
	s0 =	simm.s32 @p1 $0x1  }
0x15: {  	[smem:$0x3FB2] =	sst s0;
	s0 =	simm.s32 @!p2 $0x0  }
0x16: {  	s3 =	sld [smem:$0x3FDB];
	s0 =	simm.s32 @p2 $0x1  }
0x17: {  	s4 =	simm.s32 $0x1BF5;
	[smem:$0x3FB4] =	sst s0  }
0x18: {  	s0 =	sld [smem:$0x3F97];
	_ =	swait.ge [sflag:s4], $0x0  }
0x19: {  	s7 =	sld [smem:$0x3F98]  }
0x1a: {  	s8 =	sadd.s32 $0xFFFFE003, lr  }
0x1b: {  	s9 =	sadd.s32 $0xFFFFFEF7, lr;
	s5 =	simm.s32 $0xFFFFFFFF;
	p2 =	slt.u32 s8, $0xFFFFF086  }
0x1c: {  	p1 =	slt.u32 s9, $0xF7A;
	s5 =	simm.s32 @!p2 $0x0  }
0x1d: {  	s5 =	simm.s32 @p1 $0x1;
	p0 =	seq.s32 s7, s2  }
0x1e: {  	s7 =	smul.u32 @!p0 $0xF7A, s2;
	p2 =	seq.s32 @!p0 s5, $0x0  }
0x1f: {  	s9 =	smul.u32 $0xF7A, s1;
	s8 =	simm.s32 @!p0 $0x1BF5;
	p2 =	por !p2, p0  }
0x20: {  	[sflag:s8] =	ssyncset.s32 @!p0 $0xFFFFF086;
	s6 =	sadd.s32 @!p0 s3, s7;
	s7 =	simm.s32 @!p0 $0x108  }
0x21: {  	s3 =	sadd.s32 s3, s9;
	s6 =	sadd.s32 @!p0 $0x88, s6;
	s7 =	simm.s32 @p2 $0x1082  }
0x22: {  	[simem:s7], [sflag:s8] =	dma.local @!p0 [hbm:s6], $0xF7A  }
0x23: {  	s9 =	sor.u32 $0xD0000000, s2;
	s6 =	simm.s32 $0x108;
	_ =	swait.ge @!p0 [sflag:s8], $0x0  }
0x24: {  	s3 =	sadd.s32 $0x88, s3;
	s6 =	simm.s32 @!p1 $0x1082;
	[sflag:s4] =	ssyncset.s32 $0xFFFFF086  }
0x25: {  	[simem:s6], [sflag:s4] =	dma.local [hbm:s3], $0xF7A  }
0x26: {  	[smem:$0x3F98] =	sst s1;
	(tag) =	ssettag s2;
	_ =	strace s9  }
0x27: {  	s1 =	sld [smem:$0x3FA8]  }
0x28: {  	s2 =	sld [smem:$0x3FA9]  }
0x29: {  	s4 =	sld [smem:$0x3FAB]  }
0x2a: {  	p0 =	seq.s32 s5, $0x0;
	s5 =	sld [smem:$0x3FAC]  }
0x2b: {  	s6 =	sld [smem:$0x3FAD]  }
0x2c: {  	s7 =	sld [smem:$0x3FAE]  }
0x2d: {  	s3 =	simm.s32 $0x108;
	s8 =	sld [smem:$0x3FAF]  }
0x2e: {  	s3 =	simm.s32 @!p0 $0x1082;
	s9 =	sld [smem:$0x3FB0]  }
0x2f: {  	lr =	sadd.s32 s0, s3;
	s0 =	sld [smem:$0x3FA7]  }
0x30: {  	s3 =	sld [smem:$0x3FAA]  }
0x31: {  	[smem:$0x3FB3] =	sst s10  }
0x32: {  	s10 =	sld [smem:$0x3FB1];
	_ =	sdelay $0x3  }
0x33: {  	p0 =	seq.s32 s10, $0x1;
	s10 =	sld [smem:$0x3FB3];
	_ =	sdelay $0x3  }
0x34: {  	[smem:$0x3FB3] =	sst s10  }
0x35: {  	s10 =	sld [smem:$0x3FB2];
	_ =	sdelay $0x3  }
0x36: {  	p1 =	seq.s32 s10, $0x1;
	s10 =	sld [smem:$0x3FB3];
	_ =	sdelay $0x3  }
0x37: {  	[smem:$0x3FB3] =	sst s10  }
0x38: {  	s10 =	sld [smem:$0x3FB4]  }
0x39: {  	_ = 	snop;
	(pc) =	sbr.ind lr, $3  }
0x3a: {  	_ = 	snop  }
0x3b: {  	_ = 	snop  }
0x3c: {  	p2 =	seq.s32 s10, $0x1;
	s10 =	sld [smem:$0x3FB3]  }
0x3d: {  	_ =	shalt  }
0x3e: {  	_ =	shalt  }
0x3f: {  	_ =	shalt  }
0x40: {  	_ =	shalt  }
0x41: {  	_ =	shalt  }
0x42: {  	_ =	shalt  }
0x43: {  	_ =	shalt  }
0x44: {  	_ =	shalt  }
0x45: {  	_ =	shalt  }
0x46: {  	_ =	shalt  }
0x47: {  	_ =	shalt  }
0x48: {  	_ =	shalt  }
0x49: {  	_ =	shalt  }
0x4a: {  	_ =	shalt  }
0x4b: {  	_ =	shalt  }
0x4c: {  	_ =	shalt  }
0x4d: {  	_ =	shalt  }
0x4e: {  	_ =	shalt  }
0x4f: {  	_ =	shalt  }
0x50: {  	_ =	shalt  }
0x51: {  	_ =	shalt  }
0x52: {  	_ =	shalt  }
0x53: {  	_ =	shalt  }
0x54: {  	_ =	shalt  }
0x55: {  	_ =	shalt  }
0x56: {  	_ =	shalt  }
0x57: {  	_ =	shalt  }
0x58: {  	_ =	shalt  }
0x59: {  	_ =	shalt  }
0x5a: {  	_ =	shalt  }
0x5b: {  	_ =	shalt  }
0x5c: {  	_ =	shalt  }
0x5d: {  	_ =	shalt  }
0x5e: {  	_ =	shalt  }
0x5f: {  	_ =	shalt  }
0x60: {  	_ =	shalt  }
0x61: {  	_ =	shalt  }
0x62: {  	_ =	shalt  }
0x63: {  	_ =	shalt  }
0x64: {  	_ =	shalt  }
0x65: {  	_ =	shalt  }
0x66: {  	_ =	shalt  }
0x67: {  	_ =	shalt  }
0x68: {  	_ =	shalt  }
0x69: {  	_ =	shalt  }
0x6a: {  	_ =	shalt  }
0x6b: {  	_ =	shalt  }
0x6c: {  	_ =	shalt  }
0x6d: {  	_ =	shalt  }
0x6e: {  	_ =	shalt  }
0x6f: {  	_ =	shalt  }
0x70: {  	_ =	shalt  }
0x71: {  	_ =	shalt  }
0x72: {  	_ =	shalt  }
0x73: {  	_ =	shalt  }
0x74: {  	_ =	shalt  }
0x75: {  	_ =	shalt  }
0x76: {  	_ =	shalt  }
0x77: {  	_ =	shalt  }
0x78: {  	_ =	shalt  }
0x79: {  	_ =	shalt  }
0x7a: {  	_ =	shalt  }
0x7b: {  	_ =	shalt  }
0x7c: {  	_ =	shalt  }
0x7d: {  	_ =	shalt  }
0x7e: {  	_ =	shalt  }
0x7f: {  	_ =	shalt  }
0x80: {  	_ =	shalt  }
0x81: {  	_ =	shalt  }
0x82: {  	_ =	shalt  }
0x83: {  	_ =	shalt  }
0x84: {  	_ =	shalt  }
0x85: {  	_ =	shalt  }
0x86: {  	_ =	shalt  }
0x87: {  	_ =	shalt  }
.Lfunc_end0:
.L_simem_size_0:
called_computation.2_lowered:
.L_overlay_start_0:
0x88: {  	s2 =	sld [smem:$0x3FD9]  }
0x89: {  	s3 =	sld [smem:$0x3FFE];
	_ =	sdelay $0x1  }
0x8a: {  	s1 =	srdreg.scid  }
0x8b: {  	s0 =	sand.u32 $0x1, s1  }
0x8c: {  	s17 =	sshll.u32 s0, $0xA;
	s2 =	sadd.s32 s3, s2  }
0x8d: {  	s2 =	sadd.s32 s2, s17  }
0x8e: {  	[smem:$0x3FBF] =	sst s2  }
0x8f: {  	_ = 	snop  }
0x90: {  	s2 =	sld [smem:$0x3FD0];
	(tm) =	ssettm $0x1  }
0x91: {  	s18 =	sld [smem:$0x3FFB];
	_ =	sdelay $0x3  }
0x92: {  	_ =	strace s18  }
0x93: {  	s3 =	sld [smem:$0x3FFC];
	_ =	sdelay $0x3  }
0x94: {  	_ =	strace s3  }
0x95: {  	s3 =	sld [smem:$0x3FFD];
	_ =	sdelay $0x3  }
0x96: {  	_ =	strace s3  }
0x97: {  	_ =	strace $0x8FFFFFFF  }
0x98: {  	s19 =	sld [smem:$0x3FDB];
	_ =	sdelay $0x1  }
0x99: {  	s4 =	simm.s32 $_scs_section_size  }
0x9a: {  	s5 =	simm.s32 $_size__tile_overlayer_lowered;
	s6 =	simm.s32 $_tile_overlayer_lowered  }
0x9b: {  	s22 =	simm.s32 $0x1BFF;
	s21 =	sshll.u32 s6, $0x1;
	s3 =	sadd.s32 s4, s19  }
0x9c: {  	s7 =	simm.s32 $0x0;
	s20 =	sshll.u32 s5, $0x1;
	s5 =	sadd.s32 s21, s3  }
0x9d: {  	[timem:s7], [sflag:s22] =	dma.local [hbm:s5], s20  }
0x9e: {  	_ =	swait.ge [sflag:s22], s20  }
0x9f: {  	s4 =	ssub.s32 $0x0, s20;
	[sflag:s22] =	ssyncset.done $0x0  }
0xa0: {  	[sflag:s22] =	ssyncadd.s32 s4;
	_ =	sdelay $0x1  }
0xa1: {  	s23 =	simm.s32 $0x1B8B  }
0xa2: {  	_ =	swait.ge [sflag:s23], $0x1  }
0xa3: {  	[sflag:s23] =	ssyncset.done $0x0  }
0xa4: {  	s25 =	simm.s32 $0x1B8E;
	s24 =	sld [smem:$0x3FFE];
	[sflag:s23] =	ssyncadd.s32 $0xFFFFFFFF  }
0xa5: {  	s26 =	simm.s32 $execute0_lowered;
	[smem:$0x3FD2] =	sst s25  }
0xa6: {  	s5 =	sshll.u32 s26, $0x1;
	_ =	strace $0x8000004C;
	[dreg:$0x1] =	wrdreg $0xFFFFFFFF  }
0xa7: {  	s28 =	simm.s32 $_size_execute0_lowered;
	s3 =	sadd.s32 s3, s5;
	[dreg:$0x0] =	wrdreg $0x0  }
0xa8: {  	s5 =	sshll.u32 s28, $0x1;
	[dreg:$0x2] =	wrdreg s3  }
0xa9: {  	[dreg:$0x3] =	wrdreg s5  }
0xaa: {  	[dreg:$0x4] =	wrdreg $0xC0  }
0xab: {  	_ =	task [dreg:s7], $0x5FFFF  }
0xac: {  	[dreg:$0x1] =	wrdreg $0xFFFFFFFF  }
0xad: {  	[dreg:$0x0] =	wrdreg $0x60  }
0xae: {  	[dreg:$0x2] =	wrdreg s2  }
0xaf: {  	[dreg:$0x3] =	wrdreg s24  }
0xb0: {  	[dreg:$0x4] =	wrdreg $0xB7800  }
0xb1: {  	[dreg:$0x5] =	wrdreg $0x9  }
0xb2: {  	_ =	task.clear_ibuf [dreg:s7], $0x6FFFF;
	_ =	strace $0x9000004C  }
0xb3: {  	s29 =	simm.s32 $0x9;
	_ =	strace $0x8000004E  }
0xb4: {  	_ =	swait.ge [sflag:s29], $0x1  }
0xb5: {  	[sflag:s29] =	ssyncadd.s32 $0xFFFFFFFF  }
0xb6: {  	_ =	strace $0x9000004E  }
0xb7: {  	_ =	sfence  }
0xb8: {  	s30 =	sld [smem:$0x0];
	_ =	sdelay $0x2  }
0xb9: {  	s31 =	sshll.u32 s1, $0xD;
	s1 =	sshrl.u32 s1, $0x2  }
0xba: {  	s3 =	sand.u32 $0x4000, s31;
	s1 =	sadd.s32 s1, s30  }
0xbb: {  	s0 =	sor.u32 s3, s0;
	s1 =	sshll.u32 s1, $0x11  }
0xbc: {  	s0 =	sor.u32 s1, s0  }
0xbd: {  	s0 =	sadd.s32 $0x8F2B, s0  }
0xbe: {  	[sflag:s0] =	ssyncadd.remote.s32 $0x1  }
0xbf: {  	_ =	sfence.sel $0xFFFF  }
0xc0: {  	[dreg:$0x0] =	wrdreg $0xFFFFFFFF;
	(pc) =	sbr.abs _section_cstart, $3  }
0xc1: {  	[dreg:$0x1] =	wrdreg $0xFFFFFFFF  }
0xc2: {  	_ =	task.clear_ibuf [dreg:s7], $0x2FFFF;
	_ =	strace $0x9FFFFFFF  }
0xc3: {  	(tm) =	ssettm $0x7FFFFFFF  }
tec
execute0_lowered:
.L_overlay_start_1:
0x0: {  	(tag) =	ssettag $0x1  }
0x1: {  	s1 =	rddreg [dreg:$0x0]  }
0x2: {  	s0 =	srdreg.scid;
	s6 =	rddreg [dreg:$0x1]  }
0x3: {  	s3 =	rddreg [dreg:$0x2];
	s4 =	simm.s32 $0x0;
	s14 =	simm.s32 $0x50  }
0x4: {  	s15 =	simm.s32 $0x6780;
	s16 =	simm.s32 $0x8F80;
	s17 =	simm.s32 $0x1  }
0x5: {  	s18 =	simm.s32 $0x2;
	s19 =	simm.s32 $0x3;
	s20 =	simm.s32 $0x4  }
0x6: {  	s21 =	simm.s32 $0x6480;
	s5 =	sand.u32 $0x1, s0;
	s0 =	stileid.u32  }
0x7: {  	s22 =	simm.s32 $0x6500;
	s23 =	simm.s32 $0x26C0;
	s9 =	smul.u32 $0x14000, s0  }
0x8: {  	s24 =	simm.s32 $0x6580;
	s25 =	simm.s32 $0x0;
	s10 =	smul.u32 $0x140000, s5  }
0x9: {  	[smem:$0x7FF] =	sst s4;
	s2 =	sshll.u32 s5, $0x4;
	s29 =	smul.u32 $0x50000, s0  }
0xa: {  	s5 =	ssub.s32 $0x2, s5;
	s31 =	sshll.u32 s0, $0x6;
	s7 =	sor.u32 s0, s2  }
0xb: {  	s2 =	rddreg [dreg:$0x3];
	_ =	strace $0x8000004D;
	s30 =	sshrl.u32 s5, $0x1  }
0xc: {  	s8 =	smul.u32 $0x4E2, s7;
	s7 =	sshll.u32 s7, $0xB;
	s28 =	sshrl.u32 s9, $0x3  }
0xd: {  	s9 =	sadd.s32 s9, s10;
	s10 =	sshrl.u32 s29, $0x2;
	s12 =	ssub.s32 s5, s30  }
0xe: {  	s11 =	sadd.s32 s7, s6;
	s7 =	sadd.s32 s28, s6;
	s9 =	sshrl.u32 s9, $0x3  }
0xf: {  	s13 =	sadd.s32 s10, s3;
	s10 =	smax.u32 s12, $0x1;
	s12 =	simm.s32 $0x5  }
0x10: {  	s8 =	sadd.s32 s8, s6;
	s9 =	sadd.s32 s9, s6;
	s5 =	sadd.s32 $0x1C000, s7  }
0x11: {  	s6 =	sor.u32 $0x1C05, s31;
	s7 =	sadd.s32 $0x2200, s8;
	s8 =	sadd.s32 $0xC000, s11  }
0x12: {  	s9 =	sadd.s32 $0x94600, s9;
	s11 =	sshrl.u32 s13, $0x3;
	s13 =	simm.s32 $0x2780  }
.LBB2_1:
0x13: {  	[spmem:s11], [sflag:s6] =	dma.local [hbm:s5], $0x2800  }
0x14: {  	_ =	swait.ge [sflag:s12], $0x2800  }
0x15: {  	[sflag:s12] =	ssyncset.done $0x0  }
0x16: {  	[sflag:s12] =	ssyncadd.s32 $0xFFFFD800  }
0x17: {  	[bflag:$0x0] =	sbarrier.arrive $0xFFFF  }
0x18: {  	[tilespmem:s4], [sflag:$0x5] =	stream.linear.gather [hbm4b:s7+s4], $0x2710, $0x38;
	[tilespmem:$0x1F780] =	vst v63  }
0x19: {  	_ =	swait.ge [sflag:s12], $0x2710  }
0x1a: {  	[sflag:s12] =	ssyncset.done $0x0  }
0x1b: {  	[sflag:s12] =	ssyncadd.s32 $0xFFFFD8F0  }
0x1c: {  	[tilespmem:s13], [sflag:$0x5] =	stream.linear.gather [hbm4b:s8+s4], $0x3E80, $0x38;
	[tilespmem:$0x1F780] =	vst v63  }
0x1d: {  	_ =	swait.ge [sflag:s12], $0x3E80  }
0x1e: {  	[sflag:s12] =	ssyncset.done $0x0  }
0x1f: {  	[sflag:s12] =	ssyncadd.s32 $0xFFFFC180  }
0x20: {  	[tilespmem:s15], [sflag:$0x1] =	stream.indirect.gather [hbm4b:s1+s14], $0x80, s4, s14, $0xb8;
	[tilespmem:$0x1F780] =	vst v63  }
0x21: {  	_ = 	snop  }
0x22: {  	[tilespmem:s16], [sflag:$0x2] =	stream.indirect.gather [hbm4b:s1+s14], $0x80, s14, s14, $0xb8;
	[tilespmem:$0x1F780] =	vst v63  }
0x23: {  	_ =	swait.ge [sflag:s17], $0x2800  }
0x24: {  	[sflag:s17] =	ssyncset.done $0x0  }
0x25: {  	s26 =	simm.s32 $0x2780;
	[sflag:s17] =	ssyncadd.s32 $0xFFFFD800  }
0x26: {  	[spmem:s3] =	stream.indirect.scatter.add.f32 [tilespmem:s15], [sflag:$0x3], $0x80, s26, s14, $0xb8;
	[tilespmem:$0x1F780] =	vst v63  }
0x27: {  	_ =	swait.ge [sflag:s18], $0x2800  }
0x28: {  	[sflag:s18] =	ssyncset.done $0x0  }
0x29: {  	s30 =	simm.s32 $0x2800;
	[sflag:s18] =	ssyncadd.s32 $0xFFFFD800  }
0x2a: {  	[spmem:s3] =	stream.indirect.scatter.add.f32 [tilespmem:s16], [sflag:$0x4], $0x80, s30, s14, $0xb8;
	[tilespmem:$0x1F780] =	vst v63  }
0x2b: {  	_ =	swait.ge [sflag:s19], $0x2800  }
0x2c: {  	[sflag:s19] =	ssyncset.done $0x0  }
0x2d: {  	s31 =	simm.s32 $0xA0;
	[sflag:s19] =	ssyncadd.s32 $0xFFFFD800  }
0x2e: {  	[tilespmem:s15], [sflag:$0x1] =	stream.indirect.gather [hbm4b:s1+s14], $0x80, s31, s14, $0xb8;
	[tilespmem:$0x1F780] =	vst v63  }
0x2f: {  	_ =	swait.ge [sflag:s20], $0x2800  }
0x30: {  	s28 =	simm.s32 $0x400;
	[sflag:s20] =	ssyncset.done $0x0  }
0x31: {  	s29 =	simm.s32 $0x190;
	s26 =	simm.s32 $0xF0;
	[sflag:s20] =	ssyncadd.s32 $0xFFFFD800  }
.LBB2_2:
0x32: {  	[tilespmem:s16], [sflag:$0x2] =	stream.indirect.gather [hbm4b:s1+s14], $0x80, s26, s14, $0xb8;
	[tilespmem:$0x1F780] =	vst v63  }
0x33: {  	s30 =	smov.u32 s28;
	s26 =	smov.u32 s29  }
0x34: {  	p0 =	sne.s32 s28, $0xF000;
	s28 =	sadd.s32 $0x400, s28;
	_ =	swait.ge [sflag:s17], $0x2800  }
0x35: {  	s30 =	sshra.s32 s30, $0x2;
	[sflag:s17] =	ssyncset.done $0x0  }
0x36: {  	s31 =	sadd.s32 $0x2780, s30;
	[sflag:s17] =	ssyncadd.s32 $0xFFFFD800  }
0x37: {  	[spmem:s3] =	stream.indirect.scatter.add.f32 [tilespmem:s15], [sflag:$0x3], $0x80, s31, s14, $0xb8;
	[tilespmem:$0x1F780] =	vst v63  }
0x38: {  	_ =	swait.ge [sflag:s18], $0x2800  }
0x39: {  	[sflag:s18] =	ssyncset.done $0x0  }
0x3a: {  	s30 =	sadd.s32 $0x2800, s30;
	[sflag:s18] =	ssyncadd.s32 $0xFFFFD800  }
0x3b: {  	[spmem:s3] =	stream.indirect.scatter.add.f32 [tilespmem:s16], [sflag:$0x4], $0x80, s30, s14, $0xb8;
	[tilespmem:$0x1F780] =	vst v63  }
0x3c: {  	_ =	swait.ge [sflag:s19], $0x2800  }
0x3d: {  	[sflag:s19] =	ssyncset.done $0x0  }
.Ltmp0:
0x3e: {  	s30 =	sadd.s32 $0xFFFFFFB0, s29;
	[sflag:s19] =	ssyncadd.s32 $0xFFFFD800;
	(pc) =	sbr.rel @p0 .LBB2_2-.Ltmp0, $4  }
0x3f: {  	[tilespmem:s15], [sflag:$0x1] =	stream.indirect.gather [hbm4b:s1+s14], $0x80, s30, s14, $0xb8;
	[tilespmem:$0x1F780] =	vst v63  }
0x40: {  	_ =	swait.ge [sflag:s20], $0x2800  }
0x41: {  	[sflag:s20] =	ssyncset.done $0x0  }
0x42: {  	s29 =	sadd.s32 $0xA0, s29;
	[sflag:s20] =	ssyncadd.s32 $0xFFFFD800  }
0x43: {  	[tilespmem:s16], [sflag:$0x2] =	stream.indirect.gather [hbm4b:s1+s14], $0x80, s26, s14, $0xb8;
	[tilespmem:$0x1F780] =	vst v63  }
0x44: {  	_ =	swait.ge [sflag:s17], $0x2800  }
0x45: {  	[sflag:s17] =	ssyncset.done $0x0  }
0x46: {  	[sflag:s17] =	ssyncadd.s32 $0xFFFFD800  }
0x47: {  	[spmem:s3] =	stream.indirect.scatter.add.f32 [tilespmem:s15], [sflag:$0x3], $0x80, s21, s14, $0xb8;
	[tilespmem:$0x1F780] =	vst v63  }
0x48: {  	_ =	swait.ge [sflag:s18], $0x2800  }
0x49: {  	[sflag:s18] =	ssyncset.done $0x0  }
0x4a: {  	[sflag:s18] =	ssyncadd.s32 $0xFFFFD800  }
0x4b: {  	[spmem:s3] =	stream.indirect.scatter.add.f32 [tilespmem:s16], [sflag:$0x4], $0x80, s22, s14, $0xb8;
	[tilespmem:$0x1F780] =	vst v63  }
0x4c: {  	_ =	swait.ge [sflag:s19], $0x2800  }
0x4d: {  	[sflag:s19] =	ssyncset.done $0x0  }
0x4e: {  	[sflag:s19] =	ssyncadd.s32 $0xFFFFD800  }
0x4f: {  	[tilespmem:s15], [sflag:$0x1] =	stream.indirect.gather [hbm4b:s1+s14], $0x80, s23, s14, $0xb8;
	[tilespmem:$0x1F780] =	vst v63  }
0x50: {  	_ =	swait.ge [sflag:s20], $0x2800  }
0x51: {  	[sflag:s20] =	ssyncset.done $0x0  }
0x52: {  	[sflag:s20] =	ssyncadd.s32 $0xFFFFD800  }
0x53: {  	_ =	swait.ge [sflag:s17], $0x2800  }
0x54: {  	[sflag:s17] =	ssyncset.done $0x0  }
0x55: {  	[sflag:s17] =	ssyncadd.s32 $0xFFFFD800  }
0x56: {  	[spmem:s3] =	stream.indirect.scatter.add.f32 [tilespmem:s15], [sflag:$0x3], $0x80, s24, s14, $0xb8;
	[tilespmem:$0x1F780] =	vst v63  }
0x57: {  	_ =	swait.ge [sflag:s19], $0x2800  }
0x58: {  	s25 =	sadd.s32 $0x1, s25;
	[sflag:s19] =	ssyncset.done $0x0  }
0x59: {  	p0 =	sne.s32 s25, s10;
	[sflag:s19] =	ssyncadd.s32 $0xFFFFD800  }
.Ltmp1:
0x5a: {  	[bflag:$0x0] =	sbarrier.arrive $0xFFFF;
	(pc) =	sbr.rel @p0 .LBB2_1-.Ltmp1, $4  }
0x5b: {  	[hbm:s9], [sflag:s6] =	dma.local [spmem:s11], $0x2800  }
0x5c: {  	_ =	swait.ge [sflag:s12], $0x2800  }
0x5d: {  	[sflag:s12] =	ssyncset.done $0x0  }
0x5e: {  	[sflag:s12] =	ssyncadd.s32 $0xFFFFD800  }
0x5f: {  	_ =	sfence.sel $0x180000  }
0x60: {  	[bflag:$0x0] =	sbarrier.arrive $0xFFFF  }
0x61: {  	p0 =	sne.s32 s0, $0x0;
	_ =	strace $0x9000004D  }
0x62: {  	s0 =	sadd.s32 @!p0 $0x100000, s2;
	[bflag:$0x2] =	sbarrier.arrive $0xFFFF  }
0x63: {  	[sflag:s0] =	ssyncadd.tile.s32 @!p0 $0x1;
	_ =	shalt  }
.Lfunc_end2:
_tile_overlayer_lowered:
.L_overlay_start_2:
0x64: {  	(tag) =	ssettag $0x2  }
0x65: {  	s0 =	rddreg [dreg:$0x0];
	s2 =	stileid.u32  }
0x66: {  	s1 =	rddreg [dreg:$0x1];
	p0 =	sne.s32 s2, $0x0  }
0x67: {  	s3 =	rddreg [dreg:$0x2];
	[bflag:$0x3] =	sbarrier.arrive $0xFFFF;
	s2 =	simm.s32 @!p0 $0x1C05  }
0x68: {  	[timem:s3], [sflag:s2] =	dma.local @!p0 [hbm:s0], s1  }
0x69: {  	s0 =	simm.s32 @!p0 $0x5  }
0x6a: {  	_ =	swait.ge @!p0 [sflag:s0], s1  }
0x6b: {  	s1 =	ssub.s32 @!p0 $0x0, s1;
	[sflag:s0] =	ssyncset.done @!p0 $0x0  }
0x6c: {  	[sflag:s0] =	ssyncadd.s32 @!p0 s1  }
0x6d: {  	[bflag:$0x3] =	sbarrier.arrive $0xFFFF  }
0x6e: {  	_ =	shalt  }

// kernel: kernel.7.cloned.1.call-start
scs
__scs_entry_jumppad:
0x0: {  	(pc) =	sbr.rel $0x88, $3  }
0x1: {  	(tag) =	ssettag $0x0;
	lr =	simm.s32 $0x1  }
0x2: {  	[smem:$0x3F98] =	sst lr;
	_ =	strace $0xD0000000  }
0x3: {  	_ = 	snop  }
0x4: {  	_ = 	snop  }
0x5: {  	_ = 	snop  }
0x6: {  	_ = 	snop  }
0x7: {  	_ = 	snop  }
__scs_overlays_trampoline_lowered:
0x8: {  	[smem:$0x3FA7] =	sst s0  }
0x9: {  	[smem:$0x3FA8] =	sst s1  }
0xa: {  	[smem:$0x3FA9] =	sst s2  }
0xb: {  	[smem:$0x3FAA] =	sst s3  }
0xc: {  	[smem:$0x3FAB] =	sst s4  }
0xd: {  	[smem:$0x3FAC] =	sst s5  }
0xe: {  	[smem:$0x3FAD] =	sst s6  }
0xf: {  	[smem:$0x3FAE] =	sst s7  }
0x10: {  	[smem:$0x3FAF] =	sst s8  }
0x11: {  	[smem:$0x3FB0] =	sst s9;
	s0 =	simm.s32 @!p0 $0x0  }
0x12: {  	s1 =	sld [smem:$0x3F96];
	s0 =	simm.s32 @p0 $0x1  }
0x13: {  	[smem:$0x3FB1] =	sst s0;
	s0 =	simm.s32 @!p1 $0x0  }
0x14: {  	s2 =	sld [smem:$0x3F95];
	s0 =	simm.s32 @p1 $0x1  }
0x15: {  	[smem:$0x3FB2] =	sst s0;
	s0 =	simm.s32 @!p2 $0x0  }
0x16: {  	s3 =	sld [smem:$0x3FDB];
	s0 =	simm.s32 @p2 $0x1  }
0x17: {  	s4 =	simm.s32 $0x1BF5;
	[smem:$0x3FB4] =	sst s0  }
0x18: {  	s0 =	sld [smem:$0x3F97];
	_ =	swait.ge [sflag:s4], $0x0  }
0x19: {  	s7 =	sld [smem:$0x3F98]  }
0x1a: {  	s8 =	sadd.s32 $0xFFFFE003, lr  }
0x1b: {  	s9 =	sadd.s32 $0xFFFFFEF7, lr;
	s5 =	simm.s32 $0xFFFFFFFF;
	p2 =	slt.u32 s8, $0xFFFFF086  }
0x1c: {  	p1 =	slt.u32 s9, $0xF7A;
	s5 =	simm.s32 @!p2 $0x0  }
0x1d: {  	s5 =	simm.s32 @p1 $0x1;
	p0 =	seq.s32 s7, s2  }
0x1e: {  	s7 =	smul.u32 @!p0 $0xF7A, s2;
	p2 =	seq.s32 @!p0 s5, $0x0  }
0x1f: {  	s9 =	smul.u32 $0xF7A, s1;
	s8 =	simm.s32 @!p0 $0x1BF5;
	p2 =	por !p2, p0  }
0x20: {  	[sflag:s8] =	ssyncset.s32 @!p0 $0xFFFFF086;
	s6 =	sadd.s32 @!p0 s3, s7;
	s7 =	simm.s32 @!p0 $0x108  }
0x21: {  	s3 =	sadd.s32 s3, s9;
	s6 =	sadd.s32 @!p0 $0x88, s6;
	s7 =	simm.s32 @p2 $0x1082  }
0x22: {  	[simem:s7], [sflag:s8] =	dma.local @!p0 [hbm:s6], $0xF7A  }
0x23: {  	s9 =	sor.u32 $0xD0000000, s2;
	s6 =	simm.s32 $0x108;
	_ =	swait.ge @!p0 [sflag:s8], $0x0  }
0x24: {  	s3 =	sadd.s32 $0x88, s3;
	s6 =	simm.s32 @!p1 $0x1082;
	[sflag:s4] =	ssyncset.s32 $0xFFFFF086  }
0x25: {  	[simem:s6], [sflag:s4] =	dma.local [hbm:s3], $0xF7A  }
0x26: {  	[smem:$0x3F98] =	sst s1;
	(tag) =	ssettag s2;
	_ =	strace s9  }
0x27: {  	s1 =	sld [smem:$0x3FA8]  }
0x28: {  	s2 =	sld [smem:$0x3FA9]  }
0x29: {  	s4 =	sld [smem:$0x3FAB]  }
0x2a: {  	p0 =	seq.s32 s5, $0x0;
	s5 =	sld [smem:$0x3FAC]  }
0x2b: {  	s6 =	sld [smem:$0x3FAD]  }
0x2c: {  	s7 =	sld [smem:$0x3FAE]  }
0x2d: {  	s3 =	simm.s32 $0x108;
	s8 =	sld [smem:$0x3FAF]  }
0x2e: {  	s3 =	simm.s32 @!p0 $0x1082;
	s9 =	sld [smem:$0x3FB0]  }
0x2f: {  	lr =	sadd.s32 s0, s3;
	s0 =	sld [smem:$0x3FA7]  }
0x30: {  	s3 =	sld [smem:$0x3FAA]  }
0x31: {  	[smem:$0x3FB3] =	sst s10  }
0x32: {  	s10 =	sld [smem:$0x3FB1];
	_ =	sdelay $0x3  }
0x33: {  	p0 =	seq.s32 s10, $0x1;
	s10 =	sld [smem:$0x3FB3];
	_ =	sdelay $0x3  }
0x34: {  	[smem:$0x3FB3] =	sst s10  }
0x35: {  	s10 =	sld [smem:$0x3FB2];
	_ =	sdelay $0x3  }
0x36: {  	p1 =	seq.s32 s10, $0x1;
	s10 =	sld [smem:$0x3FB3];
	_ =	sdelay $0x3  }
0x37: {  	[smem:$0x3FB3] =	sst s10  }
0x38: {  	s10 =	sld [smem:$0x3FB4]  }
0x39: {  	_ = 	snop;
	(pc) =	sbr.ind lr, $3  }
0x3a: {  	_ = 	snop  }
0x3b: {  	_ = 	snop  }
0x3c: {  	p2 =	seq.s32 s10, $0x1;
	s10 =	sld [smem:$0x3FB3]  }
0x3d: {  	_ =	shalt  }
0x3e: {  	_ =	shalt  }
0x3f: {  	_ =	shalt  }
0x40: {  	_ =	shalt  }
0x41: {  	_ =	shalt  }
0x42: {  	_ =	shalt  }
0x43: {  	_ =	shalt  }
0x44: {  	_ =	shalt  }
0x45: {  	_ =	shalt  }
0x46: {  	_ =	shalt  }
0x47: {  	_ =	shalt  }
0x48: {  	_ =	shalt  }
0x49: {  	_ =	shalt  }
0x4a: {  	_ =	shalt  }
0x4b: {  	_ =	shalt  }
0x4c: {  	_ =	shalt  }
0x4d: {  	_ =	shalt  }
0x4e: {  	_ =	shalt  }
0x4f: {  	_ =	shalt  }
0x50: {  	_ =	shalt  }
0x51: {  	_ =	shalt  }
0x52: {  	_ =	shalt  }
0x53: {  	_ =	shalt  }
0x54: {  	_ =	shalt  }
0x55: {  	_ =	shalt  }
0x56: {  	_ =	shalt  }
0x57: {  	_ =	shalt  }
0x58: {  	_ =	shalt  }
0x59: {  	_ =	shalt  }
0x5a: {  	_ =	shalt  }
0x5b: {  	_ =	shalt  }
0x5c: {  	_ =	shalt  }
0x5d: {  	_ =	shalt  }
0x5e: {  	_ =	shalt  }
0x5f: {  	_ =	shalt  }
0x60: {  	_ =	shalt  }
0x61: {  	_ =	shalt  }
0x62: {  	_ =	shalt  }
0x63: {  	_ =	shalt  }
0x64: {  	_ =	shalt  }
0x65: {  	_ =	shalt  }
0x66: {  	_ =	shalt  }
0x67: {  	_ =	shalt  }
0x68: {  	_ =	shalt  }
0x69: {  	_ =	shalt  }
0x6a: {  	_ =	shalt  }
0x6b: {  	_ =	shalt  }
0x6c: {  	_ =	shalt  }
0x6d: {  	_ =	shalt  }
0x6e: {  	_ =	shalt  }
0x6f: {  	_ =	shalt  }
0x70: {  	_ =	shalt  }
0x71: {  	_ =	shalt  }
0x72: {  	_ =	shalt  }
0x73: {  	_ =	shalt  }
0x74: {  	_ =	shalt  }
0x75: {  	_ =	shalt  }
0x76: {  	_ =	shalt  }
0x77: {  	_ =	shalt  }
0x78: {  	_ =	shalt  }
0x79: {  	_ =	shalt  }
0x7a: {  	_ =	shalt  }
0x7b: {  	_ =	shalt  }
0x7c: {  	_ =	shalt  }
0x7d: {  	_ =	shalt  }
0x7e: {  	_ =	shalt  }
0x7f: {  	_ =	shalt  }
0x80: {  	_ =	shalt  }
0x81: {  	_ =	shalt  }
0x82: {  	_ =	shalt  }
0x83: {  	_ =	shalt  }
0x84: {  	_ =	shalt  }
0x85: {  	_ =	shalt  }
0x86: {  	_ =	shalt  }
0x87: {  	_ =	shalt  }
.Lfunc_end0:
.L_simem_size_0:
called_computation_lowered:
.L_overlay_start_0:
0x88: {  	s2 =	sld [smem:$0x3FD9]  }
0x89: {  	s3 =	sld [smem:$0x3FFE];
	_ =	sdelay $0x1  }
0x8a: {  	s1 =	srdreg.scid  }
0x8b: {  	s0 =	sand.u32 $0x1, s1  }
0x8c: {  	s17 =	sshll.u32 s0, $0xA;
	s2 =	sadd.s32 s3, s2  }
0x8d: {  	s2 =	sadd.s32 s2, s17  }
0x8e: {  	[smem:$0x3FBF] =	sst s2  }
0x8f: {  	_ = 	snop  }
0x90: {  	s2 =	sld [smem:$0x3FC8]  }
0x91: {  	s18 =	sld [smem:$0x3FD0];
	(tm) =	ssettm $0x1  }
0x92: {  	s4 =	sld [smem:$0x3FFB];
	_ =	sdelay $0x3  }
0x93: {  	_ =	strace s4  }
0x94: {  	s4 =	sld [smem:$0x3FFC];
	_ =	sdelay $0x3  }
0x95: {  	_ =	strace s4  }
0x96: {  	s4 =	sld [smem:$0x3FFD];
	_ =	sdelay $0x3  }
0x97: {  	_ =	strace s4  }
0x98: {  	_ =	strace $0x8FFFFFFF  }
0x99: {  	s19 =	sld [smem:$0x3FDB];
	_ =	sdelay $0x1  }
0x9a: {  	s5 =	simm.s32 $_scs_section_size  }
0x9b: {  	s6 =	simm.s32 $_size__tile_overlayer_lowered;
	s7 =	simm.s32 $_tile_overlayer_lowered  }
0x9c: {  	s22 =	simm.s32 $0x1BFF;
	s21 =	sshll.u32 s7, $0x1;
	s4 =	sadd.s32 s5, s19  }
0x9d: {  	s8 =	simm.s32 $0x0;
	s20 =	sshll.u32 s6, $0x1;
	s6 =	sadd.s32 s21, s4  }
0x9e: {  	[timem:s8], [sflag:s22] =	dma.local [hbm:s6], s20  }
0x9f: {  	_ =	swait.ge [sflag:s22], s20  }
0xa0: {  	s5 =	ssub.s32 $0x0, s20;
	[sflag:s22] =	ssyncset.done $0x0  }
0xa1: {  	[sflag:s22] =	ssyncadd.s32 s5;
	_ =	sdelay $0x1  }
0xa2: {  	s23 =	simm.s32 $0x1B8B  }
0xa3: {  	_ =	swait.ge [sflag:s23], $0x1  }
0xa4: {  	[sflag:s23] =	ssyncset.done $0x0  }
0xa5: {  	s25 =	simm.s32 $0x1B8E;
	s24 =	sld [smem:$0x3FFE];
	[sflag:s23] =	ssyncadd.s32 $0xFFFFFFFF  }
0xa6: {  	s26 =	simm.s32 $execute0_lowered;
	[smem:$0x3FD2] =	sst s25  }
0xa7: {  	s6 =	sshll.u32 s26, $0x1;
	_ =	strace $0x80000046;
	[dreg:$0x1] =	wrdreg $0xFFFFFFFF  }
0xa8: {  	s28 =	simm.s32 $_size_execute0_lowered;
	s4 =	sadd.s32 s4, s6;
	[dreg:$0x0] =	wrdreg $0x0  }
0xa9: {  	s6 =	sshll.u32 s28, $0x1;
	[dreg:$0x2] =	wrdreg s4  }
0xaa: {  	[dreg:$0x3] =	wrdreg s6  }
0xab: {  	[dreg:$0x4] =	wrdreg $0xC0  }
0xac: {  	_ =	task [dreg:s8], $0x5FFFF  }
0xad: {  	[dreg:$0x1] =	wrdreg $0xFFFFFFFF  }
0xae: {  	[dreg:$0x0] =	wrdreg $0x60  }
0xaf: {  	[dreg:$0x2] =	wrdreg s2  }
0xb0: {  	[dreg:$0x3] =	wrdreg s24  }
0xb1: {  	[dreg:$0x4] =	wrdreg s18  }
0xb2: {  	[dreg:$0x5] =	wrdreg $0x90800  }
0xb3: {  	[dreg:$0x6] =	wrdreg $0x1D0800  }
0xb4: {  	[dreg:$0x7] =	wrdreg $0x9  }
0xb5: {  	_ =	task.clear_ibuf [dreg:s8], $0x8FFFF;
	_ =	strace $0x90000046  }
0xb6: {  	s29 =	simm.s32 $0x9;
	_ =	strace $0x80000048  }
0xb7: {  	_ =	swait.ge [sflag:s29], $0x1  }
0xb8: {  	[sflag:s29] =	ssyncadd.s32 $0xFFFFFFFF  }
0xb9: {  	_ =	strace $0x90000048  }
0xba: {  	_ =	sfence  }
0xbb: {  	s30 =	sld [smem:$0x0];
	_ =	sdelay $0x2  }
0xbc: {  	s31 =	sshll.u32 s1, $0xD;
	s1 =	sshrl.u32 s1, $0x2  }
0xbd: {  	s3 =	sand.u32 $0x4000, s31;
	s1 =	sadd.s32 s1, s30  }
0xbe: {  	s0 =	sor.u32 s3, s0;
	s1 =	sshll.u32 s1, $0x11  }
0xbf: {  	s0 =	sor.u32 s1, s0  }
0xc0: {  	s0 =	sadd.s32 $0x8F2B, s0  }
0xc1: {  	[sflag:s0] =	ssyncadd.remote.s32 $0x1  }
0xc2: {  	_ =	sfence.sel $0xFFFF  }
0xc3: {  	[dreg:$0x0] =	wrdreg $0xFFFFFFFF;
	(pc) =	sbr.abs _section_cstart, $3  }
0xc4: {  	[dreg:$0x1] =	wrdreg $0xFFFFFFFF  }
0xc5: {  	_ =	task.clear_ibuf [dreg:s8], $0x2FFFF;
	_ =	strace $0x9FFFFFFF  }
0xc6: {  	(tm) =	ssettm $0x7FFFFFFF  }
0xc7: {  	_ =	shalt  }
tec
execute0_lowered:
.L_overlay_start_1:
0x0: {  	(tag) =	ssettag $0x1  }
0x1: {  	s0 =	rddreg [dreg:$0x0]  }
0x2: {  	s1 =	rddreg [dreg:$0x1]  }
0x3: {  	s5 =	rddreg [dreg:$0x2]  }
0x4: {  	s2 =	rddreg [dreg:$0x3]  }
0x5: {  	s3 =	rddreg [dreg:$0x4];
	s16 =	stileid.u32  }
0x6: {  	s4 =	srdreg.scid;
	s28 =	simm.s32 $0x5;
	s8 =	smul.u32 $0x14000, s16  }
0x7: {  	s29 =	simm.s32 $0x3D00;
	s30 =	simm.s32 $0x3D80;
	s10 =	smul.u32 $0x280, s16  }
0x8: {  	s31 =	simm.s32 $0x3E00;
	s7 =	sand.u32 $0x1, s4;
	s17 =	smul.u32 $0x50000, s16  }
0x9: {  	s4 =	simm.s32 $0x0;
	s19 =	sshll.u32 s16, $0x6;
	s24 =	smul.u32 $0x500, s16  }
0xa: {  	s6 =	sshll.u32 s7, $0x4;
	[smem:$0x7FF] =	sst s4;
	s12 =	smul.u32 $0x140000, s7  }
0xb: {  	s14 =	ssub.s32 $0x2, s7;
	s25 =	sshll.u32 s7, $0x7;
	s7 =	smul.u32 $0x271000, s7  }
0xc: {  	s9 =	sor.u32 s16, s6;
	s11 =	sshrl.u32 s8, $0x3;
	_ =	strace $0x80000047  }
0xd: {  	s15 =	sshrl.u32 s10, $0x3;
	s18 =	sshrl.u32 s14, $0x1;
	s6 =	sshll.u32 s9, $0xB  }
0xe: {  	s26 =	sadd.s32 s11, s1;
	s8 =	sadd.s32 s8, s12;
	s11 =	sadd.s32 s15, s1  }
0xf: {  	s12 =	sshrl.u32 s17, $0x2;
	s14 =	ssub.s32 s14, s18;
	s20 =	smul.u32 $0x27100, s9  }
0x10: {  	s18 =	sadd.s32 s10, s3;
	s22 =	smul.u32 $0x138800, s9;
	s17 =	simm.s32 $0x6  }
0x11: {  	s13 =	sadd.s32 s6, s1;
	s8 =	sshrl.u32 s8, $0x3;
	s15 =	sadd.s32 s12, s2  }
0x12: {  	s6 =	sadd.s32 $0x1C000, s26;
	s21 =	sadd.s32 $0x44000, s11;
	s11 =	sor.u32 s25, s24  }
0x13: {  	s26 =	smul.u32 $0x27100, s16;
	s18 =	sshrl.u32 s18, $0x3;
	s24 =	simm.s32 $0x2  }
0x14: {  	s25 =	simm.s32 $0x3;
	s1 =	sadd.s32 s8, s1;
	[dreg:$0x6] =	wrdreg s6  }
0x15: {  	s6 =	sor.u32 $0x1C06, s19;
	[dreg:$0x7] =	wrdreg s21;
	s23 =	sadd.s32 $0xC000, s13  }
0x16: {  	s9 =	sadd.s32 s0, s20;
	s10 =	sshrl.u32 s22, $0x3;
	s12 =	sshrl.u32 s11, $0x3  }
0x17: {  	s13 =	smax.u32 s14, $0x1;
	s16 =	sshrl.u32 s15, $0x3;
	s19 =	simm.s32 $0x4000  }
0x18: {  	s20 =	simm.s32 $0x6800;
	s21 =	simm.s32 $0x1;
	s22 =	simm.s32 $0x50  }
0x19: {  	[dreg:$0x8] =	wrdreg s23;
	s10 =	sadd.s32 s0, s10;
	s0 =	sadd.s32 s7, s0  }
0x1a: {  	s11 =	sadd.s32 $0x44600, s1;
	s12 =	sadd.s32 s5, s12;
	s14 =	sadd.s32 $0x26C00, s9  }
0x1b: {  	s23 =	simm.s32 $0x9000;
	s10 =	sadd.s32 $0x500, s10;
	s0 =	sadd.s32 s26, s0  }
0x1c: {  	v0 =	vimm.f32 $1.000000000e+00;
	s26 =	simm.s32 $0x4;
	s7 =	sadd.s32 $0xF00, s0;
	s0 =	simm.s32 $0x0  }
.LBB2_1:
0x1d: {  	[tilespmem:$0x9000] =	vst v0  }
0x1e: {  	[tilespmem:$0x9010] =	vst v0  }
0x1f: {  	[tilespmem:$0x9020] =	vst v0  }
0x20: {  	[tilespmem:$0x9030] =	vst v0  }
0x21: {  	[tilespmem:$0x9040] =	vst v0;
	s1 =	rddreg [dreg:$0x6]  }
0x22: {  	[spmem:s16], [sflag:s6] =	dma.local [hbm:s1], $0x2800  }
0x23: {  	_ =	swait.ge [sflag:s17], $0x2800  }
0x24: {  	[sflag:s17] =	ssyncset.done $0x0  }
0x25: {  	s8 =	rddreg [dreg:$0x7];
	[sflag:s17] =	ssyncadd.s32 $0xFFFFD800  }
0x26: {  	[spmem:s18], [sflag:s6] =	dma.local [hbm:s8], $0x50  }
0x27: {  	_ =	swait.ge [sflag:s17], $0x50  }
0x28: {  	[sflag:s17] =	ssyncset.done $0x0  }
0x29: {  	[sflag:s17] =	ssyncadd.s32 $0xFFFFFFB0  }
0x2a: {  	[bflag:$0x0] =	sbarrier.arrive $0xFFFF  }
0x2b: {  	s15 =	rddreg [dreg:$0x8]  }
0x2c: {  	[tilespmem:s4], [sflag:$0x6] =	stream.linear.gather [hbm4b:s15+s4], $0x3E80, $0x38;
	[tilespmem:$0x1D300] =	vst v63  }
0x2d: {  	_ =	swait.ge [sflag:s17], $0x3E80  }
0x2e: {  	[sflag:s17] =	ssyncset.done $0x0  }
0x2f: {  	[sflag:s17] =	ssyncadd.s32 $0xFFFFC180  }
0x30: {  	[tilespmem:s19], [sflag:$0x1] =	stream.linear.gather [hbm4b:s9+s4], $0x2800, $0x38;
	[tilespmem:$0x1D300] =	vst v63  }
0x31: {  	_ = 	snop  }
0x32: {  	[tilespmem:s20], [sflag:$0x2] =	stream.linear.gather [hbm4b:s10+s4], $0x2800, $0x38;
	[tilespmem:$0x1D300] =	vst v63  }
0x33: {  	_ =	swait.ge [sflag:s21], $0x2800  }
0x34: {  	[sflag:s21] =	ssyncset.done $0x0  }
0x35: {  	s5 =	simm.s32 $0x0;
	[sflag:s21] =	ssyncadd.s32 $0xFFFFD800  }
0x36: {  	[spmem:s2] =	stream.indirect.scatter.add.f32 [tilespmem:s19], [sflag:$0x3], $0x80, s5, s22, $0xb8;
	[tilespmem:$0x1D300] =	vst v63  }
0x37: {  	_ = 	snop  }
0x38: {  	[spmem:s3] =	stream.indirect.scatter.add.f32 [tilespmem:s23], [sflag:$0x5], $0x1, s5, s22, $0xb8;
	[tilespmem:$0x1D300] =	vst v63  }
0x39: {  	_ =	swait.ge [sflag:s24], $0x2800  }
0x3a: {  	[sflag:s24] =	ssyncset.done $0x0  }
0x3b: {  	s8 =	simm.s32 $0x80;
	[sflag:s24] =	ssyncadd.s32 $0xFFFFD800  }
0x3c: {  	[spmem:s2] =	stream.indirect.scatter.add.f32 [tilespmem:s20], [sflag:$0x4], $0x80, s8, s22, $0xb8;
	[tilespmem:$0x1D300] =	vst v63  }
0x3d: {  	_ = 	snop  }
0x3e: {  	[spmem:s3] =	stream.indirect.scatter.add.f32 [tilespmem:s23], [sflag:$0x5], $0x1, s8, s22, $0xb8;
	[tilespmem:$0x1D300] =	vst v63  }
0x3f: {  	_ =	swait.ge [sflag:s25], $0x2800  }
0x40: {  	[sflag:s25] =	ssyncset.done $0x0  }
0x41: {  	s15 =	sadd.s32 $0xFFFFFB00, s7;
	[sflag:s25] =	ssyncadd.s32 $0xFFFFD800  }
0x42: {  	[tilespmem:s19], [sflag:$0x1] =	stream.linear.gather [hbm4b:s15+s4], $0x2800, $0x38;
	[tilespmem:$0x1D300] =	vst v63  }
0x43: {  	_ =	swait.ge [sflag:s26], $0x2800  }
0x44: {  	[sflag:s26] =	ssyncset.done $0x0  }
0x45: {  	[sflag:s26] =	ssyncadd.s32 $0xFFFFD800  }
0x46: {  	_ =	swait.ge [sflag:s28], $0x50  }
0x47: {  	[sflag:s28] =	ssyncset.done $0x0  }
0x48: {  	[sflag:s28] =	ssyncadd.s32 $0xFFFFFFB0  }
0x49: {  	_ =	swait.ge [sflag:s28], $0x50  }
0x4a: {  	s1 =	simm.s32 $0x400;
	[sflag:s28] =	ssyncset.done $0x0  }
0x4b: {  	s5 =	sadd.s32 $0xA00, s7;
	s15 =	smov.u32 s7;
	[sflag:s28] =	ssyncadd.s32 $0xFFFFFFB0  }
.LBB2_2:
0x4c: {  	[tilespmem:s20], [sflag:$0x2] =	stream.linear.gather [hbm4b:s15+s4], $0x2800, $0x38;
	[tilespmem:$0x1D300] =	vst v63  }
0x4d: {  	s8 =	smov.u32 s1;
	s15 =	smov.u32 s5  }
0x4e: {  	p0 =	sne.s32 s1, $0xF000;
	s1 =	sadd.s32 $0x400, s1;
	_ =	swait.ge [sflag:s21], $0x2800  }
0x4f: {  	[sflag:s21] =	ssyncset.done $0x0  }
0x50: {  	s8 =	sshra.s32 s8, $0x2;
	[sflag:s21] =	ssyncadd.s32 $0xFFFFD800  }
0x51: {  	[spmem:s2] =	stream.indirect.scatter.add.f32 [tilespmem:s19], [sflag:$0x3], $0x80, s8, s22, $0xb8;
	[tilespmem:$0x1D300] =	vst v63  }
0x52: {  	_ = 	snop  }
0x53: {  	[spmem:s3] =	stream.indirect.scatter.add.f32 [tilespmem:s23], [sflag:$0x5], $0x1, s8, s22, $0xb8;
	[tilespmem:$0x1D300] =	vst v63  }
0x54: {  	_ =	swait.ge [sflag:s24], $0x2800  }
0x55: {  	[sflag:s24] =	ssyncset.done $0x0  }
0x56: {  	s8 =	sadd.s32 $0x80, s8;
	[sflag:s24] =	ssyncadd.s32 $0xFFFFD800  }
0x57: {  	[spmem:s2] =	stream.indirect.scatter.add.f32 [tilespmem:s20], [sflag:$0x4], $0x80, s8, s22, $0xb8;
	[tilespmem:$0x1D300] =	vst v63  }
0x58: {  	_ = 	snop  }
0x59: {  	[spmem:s3] =	stream.indirect.scatter.add.f32 [tilespmem:s23], [sflag:$0x5], $0x1, s8, s22, $0xb8;
	[tilespmem:$0x1D300] =	vst v63  }
0x5a: {  	_ =	swait.ge [sflag:s25], $0x2800  }
0x5b: {  	[sflag:s25] =	ssyncset.done $0x0  }
0x5c: {  	s8 =	sadd.s32 $0xFFFFFB00, s5;
	[sflag:s25] =	ssyncadd.s32 $0xFFFFD800  }
0x5d: {  	[tilespmem:s19], [sflag:$0x1] =	stream.linear.gather [hbm4b:s8+s4], $0x2800, $0x38;
	[tilespmem:$0x1D300] =	vst v63  }
0x5e: {  	_ =	swait.ge [sflag:s26], $0x2800  }
0x5f: {  	[sflag:s26] =	ssyncset.done $0x0  }
0x60: {  	[sflag:s26] =	ssyncadd.s32 $0xFFFFD800  }
0x61: {  	_ =	swait.ge [sflag:s28], $0x50  }
.Ltmp0:
0x62: {  	[sflag:s28] =	ssyncset.done $0x0;
	(pc) =	sbr.rel @p0 .LBB2_2-.Ltmp0, $4  }
0x63: {  	[sflag:s28] =	ssyncadd.s32 $0xFFFFFFB0  }
0x64: {  	_ =	swait.ge [sflag:s28], $0x50  }
0x65: {  	[sflag:s28] =	ssyncset.done $0x0  }
0x66: {  	s5 =	sadd.s32 $0xA00, s5;
	[sflag:s28] =	ssyncadd.s32 $0xFFFFFFB0  }
0x67: {  	[tilespmem:s20], [sflag:$0x2] =	stream.linear.gather [hbm4b:s15+s4], $0x2800, $0x38;
	[tilespmem:$0x1D300] =	vst v63  }
0x68: {  	_ =	swait.ge [sflag:s21], $0x2800  }
0x69: {  	[sflag:s21] =	ssyncset.done $0x0  }
0x6a: {  	[sflag:s21] =	ssyncadd.s32 $0xFFFFD800  }
0x6b: {  	[spmem:s2] =	stream.indirect.scatter.add.f32 [tilespmem:s19], [sflag:$0x3], $0x80, s29, s22, $0xb8;
	[tilespmem:$0x1D300] =	vst v63  }
0x6c: {  	_ = 	snop  }
0x6d: {  	[spmem:s3] =	stream.indirect.scatter.add.f32 [tilespmem:s23], [sflag:$0x5], $0x1, s29, s22, $0xb8;
	[tilespmem:$0x1D300] =	vst v63  }
0x6e: {  	_ =	swait.ge [sflag:s24], $0x2800  }
0x6f: {  	[sflag:s24] =	ssyncset.done $0x0  }
0x70: {  	[sflag:s24] =	ssyncadd.s32 $0xFFFFD800  }
0x71: {  	[spmem:s2] =	stream.indirect.scatter.add.f32 [tilespmem:s20], [sflag:$0x4], $0x80, s30, s22, $0xb8;
	[tilespmem:$0x1D300] =	vst v63  }
0x72: {  	_ = 	snop  }
0x73: {  	[spmem:s3] =	stream.indirect.scatter.add.f32 [tilespmem:s23], [sflag:$0x5], $0x1, s30, s22, $0xb8;
	[tilespmem:$0x1D300] =	vst v63  }
0x74: {  	_ =	swait.ge [sflag:s25], $0x2800  }
0x75: {  	[sflag:s25] =	ssyncset.done $0x0  }
0x76: {  	[sflag:s25] =	ssyncadd.s32 $0xFFFFD800  }
0x77: {  	[tilespmem:s19], [sflag:$0x1] =	stream.linear.gather [hbm4b:s14+s4], $0x2800, $0x38;
	[tilespmem:$0x1D300] =	vst v63  }
0x78: {  	_ =	swait.ge [sflag:s26], $0x2800  }
0x79: {  	[sflag:s26] =	ssyncset.done $0x0  }
0x7a: {  	[sflag:s26] =	ssyncadd.s32 $0xFFFFD800  }
0x7b: {  	_ =	swait.ge [sflag:s28], $0x50  }
0x7c: {  	[sflag:s28] =	ssyncset.done $0x0  }
0x7d: {  	[sflag:s28] =	ssyncadd.s32 $0xFFFFFFB0  }
0x7e: {  	_ =	swait.ge [sflag:s28], $0x50  }
0x7f: {  	[sflag:s28] =	ssyncset.done $0x0  }
0x80: {  	[sflag:s28] =	ssyncadd.s32 $0xFFFFFFB0  }
0x81: {  	_ =	swait.ge [sflag:s21], $0x2800  }
0x82: {  	[sflag:s21] =	ssyncset.done $0x0  }
0x83: {  	[sflag:s21] =	ssyncadd.s32 $0xFFFFD800  }
0x84: {  	[spmem:s2] =	stream.indirect.scatter.add.f32 [tilespmem:s19], [sflag:$0x3], $0x80, s31, s22, $0xb8;
	[tilespmem:$0x1D300] =	vst v63  }
0x85: {  	_ = 	snop  }
0x86: {  	[spmem:s3] =	stream.indirect.scatter.add.f32 [tilespmem:s23], [sflag:$0x5], $0x1, s31, s22, $0xb8;
	[tilespmem:$0x1D300] =	vst v63  }
0x87: {  	_ =	swait.ge [sflag:s25], $0x2800  }
0x88: {  	[sflag:s25] =	ssyncset.done $0x0  }
0x89: {  	[sflag:s25] =	ssyncadd.s32 $0xFFFFD800  }
0x8a: {  	_ =	swait.ge [sflag:s28], $0x50  }
0x8b: {  	[sflag:s28] =	ssyncset.done $0x0  }
0x8c: {  	[sflag:s28] =	ssyncadd.s32 $0xFFFFFFB0  }
0x8d: {  	[bflag:$0x0] =	sbarrier.arrive $0xFFFF  }
0x8e: {  	[hbm:s11], [sflag:s6] =	dma.local [spmem:s16], $0x2800  }
0x8f: {  	s0 =	sadd.s32 $0x1, s0;
	_ =	swait.ge [sflag:s17], $0x2800  }
0x90: {  	s1 =	simm.s32 $0x20;
	p0 =	sne.s32 s0, s13;
	[sflag:s17] =	ssyncset.done $0x0  }
.Ltmp1:
0x91: {  	s5 =	simm.s32 $0x10;
	[sflag:s17] =	ssyncadd.s32 $0xFFFFD800;
	(pc) =	sbr.rel @p0 .LBB2_1-.Ltmp1, $4  }
0x92: {  	[hbm:s12@s1], [sflag:s6] =	dma.strided [spmem:s18@s5], $0x50, s21, $0x10   }
0x93: {  	_ =	swait.ge [sflag:s17], $0x50  }
0x94: {  	[sflag:s17] =	ssyncset.done $0x0  }
0x95: {  	[sflag:s17] =	ssyncadd.s32 $0xFFFFFFB0  }
0x96: {  	_ =	sfence.sel $0x180000  }
0x97: {  	[bflag:$0x0] =	sbarrier.arrive $0xFFFF  }
0x98: {  	_ =	strace $0x90000047  }
0x99: {  	s0 =	stileid.u32;
	[bflag:$0x2] =	sbarrier.arrive $0xFFFF  }
0x9a: {  	p0 =	sne.s32 s0, $0x0;
	s0 =	rddreg [dreg:$0x5]  }
0x9b: {  	s0 =	sadd.s32 @!p0 $0x100000, s0  }
0x9c: {  	[sflag:s0] =	ssyncadd.tile.s32 @!p0 $0x1;
	_ =	shalt  }
.Lfunc_end2:
_tile_overlayer_lowered:
.L_overlay_start_2:
0x9d: {  	(tag) =	ssettag $0x2  }
0x9e: {  	s0 =	rddreg [dreg:$0x0];
	s2 =	stileid.u32  }
0x9f: {  	s1 =	rddreg [dreg:$0x1];
	p0 =	sne.s32 s2, $0x0  }
0xa0: {  	s3 =	rddreg [dreg:$0x2];
	[bflag:$0x3] =	sbarrier.arrive $0xFFFF;
	s2 =	simm.s32 @!p0 $0x1C06  }
0xa1: {  	[timem:s3], [sflag:s2] =	dma.local @!p0 [hbm:s0], s1  }
0xa2: {  	s0 =	simm.s32 @!p0 $0x6  }
0xa3: {  	_ =	swait.ge @!p0 [sflag:s0], s1  }
0xa4: {  	s1 =	ssub.s32 @!p0 $0x0, s1;
	[sflag:s0] =	ssyncset.done @!p0 $0x0  }
0xa5: {  	[sflag:s0] =	ssyncadd.s32 @!p0 s1  }
0xa6: {  	[bflag:$0x3] =	sbarrier.arrive $0xFFFF  }
0xa7: {  	_ =	shalt  }

</sc_bundles>
